<compile_context>
chip_gen: v7x
topology: tpu7x:2x2x1
jax: 0.10.2.dev20260603
libtpu: 0.0.44.dev20260713+nightly
codegen_flags: <defaults>
</compile_context>

<pallas_src>
import functools

import jax
import jax.numpy as jnp
from jax import lax
from jax.experimental import pallas as pl
from jax.experimental.pallas import tpu as pltpu
from jax.experimental.pallas import tpu_sc as plsc

B, T, V, E = 4096, 200, 1000000, 32
H1, H2, H3 = 500, 100, 1
N = B * T
NCH = (T * E) // 128

NC, NS = 2, 16
NW = NC * NS

B_PER_W = N // NW
CHUNK = 128
N_CHUNKS = B_PER_W // CHUNK


GBUF = 8


def _gather_sc_body(idx_hbm, dst_hbm, table_hbm, out_hbm,
                    idx_v, dst_v, rows_v, gsem, wsem):
    wid = lax.axis_index("s") * NC + lax.axis_index("c")
    pltpu.sync_copy(idx_hbm.at[wid], idx_v)
    pltpu.sync_copy(dst_hbm.at[wid], dst_v)

    def g(b, j):
        return pltpu.make_async_copy(
            table_hbm.at[idx_v.at[j]], rows_v.at[b], gsem
        )

    def s(b, j):
        return pltpu.make_async_copy(
            rows_v.at[b], out_hbm.at[dst_v.at[j]], wsem
        )

    for b in range(GBUF):
        g(b, b).start()

    def group(q, _):
        for b in range(GBUF):
            j = q * GBUF + b
            g(b, j).wait()
            s(b, j).start()
        for b in range(GBUF):
            j = q * GBUF + b
            s(b, j).wait()

            @pl.when(j + GBUF < N_CHUNKS)
            def _():
                g(b, j + GBUF).start()

        return ()

    lax.fori_loop(0, N_CHUNKS // GBUF, group, ())


@functools.cache
def _gather_sc():
    mesh = plsc.VectorSubcoreMesh(
        core_axis_name="c", subcore_axis_name="s", num_cores=NC
    )
    return pl.kernel(
        _gather_sc_body,
        mesh=mesh,
        out_type=jax.ShapeDtypeStruct((N, E), jnp.float32),
        scratch_types=[
            pltpu.VMEM((N_CHUNKS, CHUNK), jnp.int32),
            pltpu.VMEM((N_CHUNKS, CHUNK), jnp.int32),
            pltpu.VMEM((GBUF, CHUNK, E), jnp.float32),
            pltpu.SemaphoreType.DMA,
            pltpu.SemaphoreType.DMA,
        ],
        compiler_params=pltpu.CompilerParams(use_tc_tiling_on_sc=False),
    )


def _dst_map():
    m = jnp.arange(N, dtype=jnp.int32)
    b = m // T
    t = m - b * T
    p = (t // 4 * B + b) * 4 + (t - t // 4 * 4)
    return p.reshape(NW, N_CHUNKS, CHUNK)


def _mlp_body(h_ref, w1t_ref, b1_ref, w2t_ref, b2_ref, w3_ref, b3_ref,
              o_ref, acc_ref):
    c = pl.program_id(0)

    @pl.when(c == 0)
    def _init():
        acc_ref[...] = jnp.zeros_like(acc_ref)

    acc_ref[...] += lax.dot_general(
        h_ref[0], w1t_ref[...], (((1,), (1,)), ((), ())),
        preferred_element_type=jnp.float32,
    )

    @pl.when(c == NCH - 1)
    def _finish():
        a1 = jnp.maximum(acc_ref[...] + b1_ref[...], 0.0)
        a2 = lax.dot_general(
            a1, w2t_ref[...], (((1,), (1,)), ((), ())),
            preferred_element_type=jnp.float32,
        )
        a2 = jnp.maximum(a2 + b2_ref[...], 0.0)
        a3 = jnp.dot(a2, w3_ref[...], preferred_element_type=jnp.float32)
        o_ref[...] = jax.nn.sigmoid(a3 + b3_ref[...])


def _mlp_tc(h2, W1t, b1, W2t, b2, W3, b3):
    return pl.pallas_call(
        _mlp_body,
        grid=(NCH,),
        in_specs=[
            pl.BlockSpec((1, B, 128), lambda c: (c, 0, 0)),
            pl.BlockSpec((H1, 128), lambda c: (0, c)),
            pl.BlockSpec((1, H1), lambda c: (0, 0)),
            pl.BlockSpec((H2, H1), lambda c: (0, 0)),
            pl.BlockSpec((1, H2), lambda c: (0, 0)),
            pl.BlockSpec((H2, H3), lambda c: (0, 0)),
            pl.BlockSpec((1, H3), lambda c: (0, 0)),
        ],
        out_specs=pl.BlockSpec((B, H3), lambda c: (0, 0)),
        out_shape=jax.ShapeDtypeStruct((B, H3), jnp.float32),
        scratch_shapes=[pltpu.VMEM((B, H1), jnp.float32)],
    )(h2, W1t, b1.reshape(1, H1), W2t, b2.reshape(1, H2), W3,
      b3.reshape(1, H3))


@jax.jit
def kernel(x, emb, W1, b1, W2, b2, W3, b3):
    xm = x.reshape(NW, N_CHUNKS, CHUNK)
    rows = _gather_sc()(xm, _dst_map(), emb)
    h2 = rows.reshape(NCH, B, 128)
    return _mlp_tc(h2, W1.T, b1, W2.T, b2, W3, b3)

# --- scband reference (transcript-rebuilt; emitter-appended) ---
"""Pipeline reference for scband-simple-nn-3470333575971 (READ-ONLY COPY).

The authoritative reference and input builder live on the scoring server;
editing this copy changes nothing except your own understanding.
"""

import jax, jax.numpy as jnp
import numpy as np

B, T, V, E = 4096, 200, 1000000, 32
H1, H2, H3 = 500, 100, 1


def setup_inputs(seed: int = 0) -> dict:
    key = jax.random.key(seed)
    ks = jax.random.split(key, 8)
    x = jax.random.randint(ks[0], (B, T), 0, V, dtype=jnp.int32)
    emb = jax.random.normal(ks[1], (V, E), dtype=jnp.float32) * 0.02
    W1 = jax.random.normal(ks[2], (T * E, H1), dtype=jnp.float32) * (1.0 / np.sqrt(T * E))
    b1 = jnp.zeros((H1,), dtype=jnp.float32)
    W2 = jax.random.normal(ks[3], (H1, H2), dtype=jnp.float32) * (1.0 / np.sqrt(H1))
    b2 = jnp.zeros((H2,), dtype=jnp.float32)
    W3 = jax.random.normal(ks[4], (H2, H3), dtype=jnp.float32) * (1.0 / np.sqrt(H2))
    b3 = jnp.zeros((H3,), dtype=jnp.float32)
    return {"x": x, "emb": emb, "W1": W1, "b1": b1, "W2": W2, "b2": b2, "W3": W3, "b3": b3}


def reference(x, emb, W1, b1, W2, b2, W3, b3):
    # emb(x): gather rows from embedding table
    emb_x = jnp.take(emb, x, axis=0)            # [B, T, E]
    h = emb_x.reshape(x.shape[0], -1)            # [B, T*E]
    h = jax.nn.relu(h @ W1 + b1)                 # linear1 + relu
    h = jax.nn.relu(h @ W2 + b2)                 # linear2 + relu
    out = jax.nn.sigmoid(h @ W3 + b3)            # linear3 + sigmoid
    return out

if __name__ == "__main__":
    import jax
    _d = setup_inputs()
    print(jax.jit(kernel)(*tuple(_d.values())))

</pallas_src>

<mosaic_0001>
#map = affine_map<(d0, d1) -> (0, 0, 0)>
#map1 = affine_map<(d0, d1) -> (0, 0)>
module attributes {stable_mosaic.version = 14 : i64} {
  func.func @_gather_sc_body(%arg0: i32, %arg1: i32, %arg2: memref<32x200x128xi32, #tpu.memory_space<hbm>>, %arg3: memref<32x200x128xi32, #tpu.memory_space<hbm>>, %arg4: memref<1000000x32xf32, #tpu.memory_space<hbm>>, %arg5: memref<819200x32xf32, #tpu.memory_space<hbm>>, %arg6: memref<200x128xi32, #tpu.memory_space<vmem>>, %arg7: memref<200x128xi32, #tpu.memory_space<vmem>>, %arg8: memref<8x128x32xf32, #tpu.memory_space<vmem>>, %arg9: memref<!tpu.dma_semaphore, #tpu.memory_space<semaphore_mem>>, %arg10: memref<!tpu.dma_semaphore, #tpu.memory_space<semaphore_mem>>) attributes {dimension_semantics = [#tpu.dimension_semantics<core_parallel>, #tpu.dimension_semantics<subcore_parallel>], iteration_bounds = array<i64: 2, 16>, scalar_prefetch = 0 : i64, scratch_operands = 5 : i64, tpu.core_type = #tpu.core_type<sc_vector_subcore>, window_params = [{transform_indices = #map}, {transform_indices = #map}, {transform_indices = #map1}, {transform_indices = #map1}]} {
    %mul3A = arith.constant 2 : i32
    %mul3A_0 = arith.muli %arg1, %mul3A : i32
    %add3A = arith.addi %mul3A_0, %arg0 : i32
    "tpu.region"() ({
      %run_scoped3A = tpu.sem_alloc : memref<!tpu.dma_semaphore, #tpu.memory_space<semaphore_mem>>
      %dma_start3A_100 = arith.constant 0 : i32
      %dma_start3A_101 = arith.constant 0 : i32
      %dma_start3A_102 = tpu.memref_slice %arg2[%add3A, %dma_start3A_100, %dma_start3A_101] : memref<32x200x128xi32, #tpu.memory_space<hbm>> -> memref<1x200x128xi32, #tpu.memory_space<hbm>>
      %dma_start3A_103 = tpu.memref_squeeze %dma_start3A_102 : memref<1x200x128xi32, #tpu.memory_space<hbm>> -> memref<200x128xi32, #tpu.memory_space<hbm>>
      %dma_start3A_104 = arith.constant 0 : i32
      %dma_start3A_105 = arith.constant 0 : i32
      %dma_start3A_106 = tpu.memref_slice %arg2[%add3A, %dma_start3A_104, %dma_start3A_105] : memref<32x200x128xi32, #tpu.memory_space<hbm>> -> memref<1x200x128xi32, #tpu.memory_space<hbm>>
      %dma_start3A_107 = tpu.memref_squeeze %dma_start3A_106 : memref<1x200x128xi32, #tpu.memory_space<hbm>> -> memref<200x128xi32, #tpu.memory_space<hbm>>
      tpu.enqueue_dma source(%dma_start3A_107 : memref<200x128xi32, #tpu.memory_space<hbm>>) target(%arg6 : memref<200x128xi32, #tpu.memory_space<vmem>>) target_semaphore(%run_scoped3A : memref<!tpu.dma_semaphore, #tpu.memory_space<semaphore_mem>>)
      %dma_wait3A = arith.constant 0 : i32
      %dma_wait3A_108 = arith.constant 0 : i32
      %dma_wait3A_109 = tpu.memref_slice %arg2[%add3A, %dma_wait3A, %dma_wait3A_108] : memref<32x200x128xi32, #tpu.memory_space<hbm>> -> memref<1x200x128xi32, #tpu.memory_space<hbm>>
      %dma_wait3A_110 = tpu.memref_squeeze %dma_wait3A_109 : memref<1x200x128xi32, #tpu.memory_space<hbm>> -> memref<200x128xi32, #tpu.memory_space<hbm>>
      %dma_wait3A_111 = arith.constant 0 : i32
      %dma_wait3A_112 = arith.constant 0 : i32
      %dma_wait3A_113 = tpu.memref_slice %arg2[%add3A, %dma_wait3A_111, %dma_wait3A_112] : memref<32x200x128xi32, #tpu.memory_space<hbm>> -> memref<1x200x128xi32, #tpu.memory_space<hbm>>
      %dma_wait3A_114 = tpu.memref_squeeze %dma_wait3A_113 : memref<1x200x128xi32, #tpu.memory_space<hbm>> -> memref<200x128xi32, #tpu.memory_space<hbm>>
      tpu.wait_dma2 semaphore(%run_scoped3A : memref<!tpu.dma_semaphore, #tpu.memory_space<semaphore_mem>>) src(%dma_wait3A_114 : memref<200x128xi32, #tpu.memory_space<hbm>>) dst(%arg6 : memref<200x128xi32, #tpu.memory_space<vmem>>)
      tpu.yield
    }) : () -> ()
    "tpu.region"() ({
      %run_scoped3A = tpu.sem_alloc : memref<!tpu.dma_semaphore, #tpu.memory_space<semaphore_mem>>
      %dma_start3A_100 = arith.constant 0 : i32
      %dma_start3A_101 = arith.constant 0 : i32
      %dma_start3A_102 = tpu.memref_slice %arg3[%add3A, %dma_start3A_100, %dma_start3A_101] : memref<32x200x128xi32, #tpu.memory_space<hbm>> -> memref<1x200x128xi32, #tpu.memory_space<hbm>>
      %dma_start3A_103 = tpu.memref_squeeze %dma_start3A_102 : memref<1x200x128xi32, #tpu.memory_space<hbm>> -> memref<200x128xi32, #tpu.memory_space<hbm>>
      %dma_start3A_104 = arith.constant 0 : i32
      %dma_start3A_105 = arith.constant 0 : i32
      %dma_start3A_106 = tpu.memref_slice %arg3[%add3A, %dma_start3A_104, %dma_start3A_105] : memref<32x200x128xi32, #tpu.memory_space<hbm>> -> memref<1x200x128xi32, #tpu.memory_space<hbm>>
      %dma_start3A_107 = tpu.memref_squeeze %dma_start3A_106 : memref<1x200x128xi32, #tpu.memory_space<hbm>> -> memref<200x128xi32, #tpu.memory_space<hbm>>
      tpu.enqueue_dma source(%dma_start3A_107 : memref<200x128xi32, #tpu.memory_space<hbm>>) target(%arg7 : memref<200x128xi32, #tpu.memory_space<vmem>>) target_semaphore(%run_scoped3A : memref<!tpu.dma_semaphore, #tpu.memory_space<semaphore_mem>>)
      %dma_wait3A = arith.constant 0 : i32
      %dma_wait3A_108 = arith.constant 0 : i32
      %dma_wait3A_109 = tpu.memref_slice %arg3[%add3A, %dma_wait3A, %dma_wait3A_108] : memref<32x200x128xi32, #tpu.memory_space<hbm>> -> memref<1x200x128xi32, #tpu.memory_space<hbm>>
      %dma_wait3A_110 = tpu.memref_squeeze %dma_wait3A_109 : memref<1x200x128xi32, #tpu.memory_space<hbm>> -> memref<200x128xi32, #tpu.memory_space<hbm>>
      %dma_wait3A_111 = arith.constant 0 : i32
      %dma_wait3A_112 = arith.constant 0 : i32
      %dma_wait3A_113 = tpu.memref_slice %arg3[%add3A, %dma_wait3A_111, %dma_wait3A_112] : memref<32x200x128xi32, #tpu.memory_space<hbm>> -> memref<1x200x128xi32, #tpu.memory_space<hbm>>
      %dma_wait3A_114 = tpu.memref_squeeze %dma_wait3A_113 : memref<1x200x128xi32, #tpu.memory_space<hbm>> -> memref<200x128xi32, #tpu.memory_space<hbm>>
      tpu.wait_dma2 semaphore(%run_scoped3A : memref<!tpu.dma_semaphore, #tpu.memory_space<semaphore_mem>>) src(%dma_wait3A_114 : memref<200x128xi32, #tpu.memory_space<hbm>>) dst(%arg7 : memref<200x128xi32, #tpu.memory_space<vmem>>)
      tpu.yield
    }) : () -> ()
    %dma_start3A = arith.constant 0 : i32
    %dma_start3A_1 = arith.constant 0 : i32
    %dma_start3A_2 = arith.constant 0 : i32
    %dma_start3A_3 = arith.constant 0 : i32
    %dma_start3A_4 = tpu.memref_slice %arg8[%dma_start3A_1, %dma_start3A_2, %dma_start3A_3] : memref<8x128x32xf32, #tpu.memory_space<vmem>> -> memref<1x128x32xf32, #tpu.memory_space<vmem>>
    %dma_start3A_5 = tpu.memref_squeeze %dma_start3A_4 : memref<1x128x32xf32, #tpu.memory_space<vmem>> -> memref<128x32xf32, #tpu.memory_space<vmem>>
    %dma_start3A_6 = arith.constant 0 : i32
    %dma_start3A_7 = tpu.memref_slice %arg6[%dma_start3A, %dma_start3A_6] : memref<200x128xi32, #tpu.memory_space<vmem>> -> memref<1x128xi32, #tpu.memory_space<vmem>>
    %dma_start3A_8 = tpu.memref_squeeze %dma_start3A_7 : memref<1x128xi32, #tpu.memory_space<vmem>> -> memref<128xi32, #tpu.memory_space<vmem>>
    %dma_start3A_9 = arith.constant 0 : i32
    %dma_start3A_10 = arith.constant 0 : i32
    %dma_start3A_11 = tpu.memref_slice %arg4[%dma_start3A_9, %dma_start3A_10] : memref<1000000x32xf32, #tpu.memory_space<hbm>> -> memref<1000000x32xf32, #tpu.memory_space<hbm>>
    tpu.enqueue_indirect_dma source(%dma_start3A_11 : memref<1000000x32xf32, #tpu.memory_space<hbm>>) target(%dma_start3A_5 : memref<128x32xf32, #tpu.memory_space<vmem>>) offsets(%dma_start3A_8 : memref<128xi32, #tpu.memory_space<vmem>>) semaphore(%arg9 : memref<!tpu.dma_semaphore, #tpu.memory_space<semaphore_mem>>)
    %dma_start3A_12 = arith.constant 1 : i32
    %dma_start3A_13 = arith.constant 1 : i32
    %dma_start3A_14 = arith.constant 0 : i32
    %dma_start3A_15 = arith.constant 0 : i32
    %dma_start3A_16 = tpu.memref_slice %arg8[%dma_start3A_13, %dma_start3A_14, %dma_start3A_15] : memref<8x128x32xf32, #tpu.memory_space<vmem>> -> memref<1x128x32xf32, #tpu.memory_space<vmem>>
    %dma_start3A_17 = tpu.memref_squeeze %dma_start3A_16 : memref<1x128x32xf32, #tpu.memory_space<vmem>> -> memref<128x32xf32, #tpu.memory_space<vmem>>
    %dma_start3A_18 = arith.constant 0 : i32
    %dma_start3A_19 = tpu.memref_slice %arg6[%dma_start3A_12, %dma_start3A_18] : memref<200x128xi32, #tpu.memory_space<vmem>> -> memref<1x128xi32, #tpu.memory_space<vmem>>
    %dma_start3A_20 = tpu.memref_squeeze %dma_start3A_19 : memref<1x128xi32, #tpu.memory_space<vmem>> -> memref<128xi32, #tpu.memory_space<vmem>>
    %dma_start3A_21 = arith.constant 0 : i32
    %dma_start3A_22 = arith.constant 0 : i32
    %dma_start3A_23 = tpu.memref_slice %arg4[%dma_start3A_21, %dma_start3A_22] : memref<1000000x32xf32, #tpu.memory_space<hbm>> -> memref<1000000x32xf32, #tpu.memory_space<hbm>>
    tpu.enqueue_indirect_dma source(%dma_start3A_23 : memref<1000000x32xf32, #tpu.memory_space<hbm>>) target(%dma_start3A_17 : memref<128x32xf32, #tpu.memory_space<vmem>>) offsets(%dma_start3A_20 : memref<128xi32, #tpu.memory_space<vmem>>) semaphore(%arg9 : memref<!tpu.dma_semaphore, #tpu.memory_space<semaphore_mem>>)
    %dma_start3A_24 = arith.constant 2 : i32
    %dma_start3A_25 = arith.constant 2 : i32
    %dma_start3A_26 = arith.constant 0 : i32
    %dma_start3A_27 = arith.constant 0 : i32
    %dma_start3A_28 = tpu.memref_slice %arg8[%dma_start3A_25, %dma_start3A_26, %dma_start3A_27] : memref<8x128x32xf32, #tpu.memory_space<vmem>> -> memref<1x128x32xf32, #tpu.memory_space<vmem>>
    %dma_start3A_29 = tpu.memref_squeeze %dma_start3A_28 : memref<1x128x32xf32, #tpu.memory_space<vmem>> -> memref<128x32xf32, #tpu.memory_space<vmem>>
    %dma_start3A_30 = arith.constant 0 : i32
    %dma_start3A_31 = tpu.memref_slice %arg6[%dma_start3A_24, %dma_start3A_30] : memref<200x128xi32, #tpu.memory_space<vmem>> -> memref<1x128xi32, #tpu.memory_space<vmem>>
    %dma_start3A_32 = tpu.memref_squeeze %dma_start3A_31 : memref<1x128xi32, #tpu.memory_space<vmem>> -> memref<128xi32, #tpu.memory_space<vmem>>
    %dma_start3A_33 = arith.constant 0 : i32
    %dma_start3A_34 = arith.constant 0 : i32
    %dma_start3A_35 = tpu.memref_slice %arg4[%dma_start3A_33, %dma_start3A_34] : memref<1000000x32xf32, #tpu.memory_space<hbm>> -> memref<1000000x32xf32, #tpu.memory_space<hbm>>
    tpu.enqueue_indirect_dma source(%dma_start3A_35 : memref<1000000x32xf32, #tpu.memory_space<hbm>>) target(%dma_start3A_29 : memref<128x32xf32, #tpu.memory_space<vmem>>) offsets(%dma_start3A_32 : memref<128xi32, #tpu.memory_space<vmem>>) semaphore(%arg9 : memref<!tpu.dma_semaphore, #tpu.memory_space<semaphore_mem>>)
    %dma_start3A_36 = arith.constant 3 : i32
    %dma_start3A_37 = arith.constant 3 : i32
    %dma_start3A_38 = arith.constant 0 : i32
    %dma_start3A_39 = arith.constant 0 : i32
    %dma_start3A_40 = tpu.memref_slice %arg8[%dma_start3A_37, %dma_start3A_38, %dma_start3A_39] : memref<8x128x32xf32, #tpu.memory_space<vmem>> -> memref<1x128x32xf32, #tpu.memory_space<vmem>>
    %dma_start3A_41 = tpu.memref_squeeze %dma_start3A_40 : memref<1x128x32xf32, #tpu.memory_space<vmem>> -> memref<128x32xf32, #tpu.memory_space<vmem>>
    %dma_start3A_42 = arith.constant 0 : i32
    %dma_start3A_43 = tpu.memref_slice %arg6[%dma_start3A_36, %dma_start3A_42] : memref<200x128xi32, #tpu.memory_space<vmem>> -> memref<1x128xi32, #tpu.memory_space<vmem>>
    %dma_start3A_44 = tpu.memref_squeeze %dma_start3A_43 : memref<1x128xi32, #tpu.memory_space<vmem>> -> memref<128xi32, #tpu.memory_space<vmem>>
    %dma_start3A_45 = arith.constant 0 : i32
    %dma_start3A_46 = arith.constant 0 : i32
    %dma_start3A_47 = tpu.memref_slice %arg4[%dma_start3A_45, %dma_start3A_46] : memref<1000000x32xf32, #tpu.memory_space<hbm>> -> memref<1000000x32xf32, #tpu.memory_space<hbm>>
    tpu.enqueue_indirect_dma source(%dma_start3A_47 : memref<1000000x32xf32, #tpu.memory_space<hbm>>) target(%dma_start3A_41 : memref<128x32xf32, #tpu.memory_space<vmem>>) offsets(%dma_start3A_44 : memref<128xi32, #tpu.memory_space<vmem>>) semaphore(%arg9 : memref<!tpu.dma_semaphore, #tpu.memory_space<semaphore_mem>>)
    %dma_start3A_48 = arith.constant 4 : i32
    %dma_start3A_49 = arith.constant 4 : i32
    %dma_start3A_50 = arith.constant 0 : i32
    %dma_start3A_51 = arith.constant 0 : i32
    %dma_start3A_52 = tpu.memref_slice %arg8[%dma_start3A_49, %dma_start3A_50, %dma_start3A_51] : memref<8x128x32xf32, #tpu.memory_space<vmem>> -> memref<1x128x32xf32, #tpu.memory_space<vmem>>
    %dma_start3A_53 = tpu.memref_squeeze %dma_start3A_52 : memref<1x128x32xf32, #tpu.memory_space<vmem>> -> memref<128x32xf32, #tpu.memory_space<vmem>>
    %dma_start3A_54 = arith.constant 0 : i32
    %dma_start3A_55 = tpu.memref_slice %arg6[%dma_start3A_48, %dma_start3A_54] : memref<200x128xi32, #tpu.memory_space<vmem>> -> memref<1x128xi32, #tpu.memory_space<vmem>>
    %dma_start3A_56 = tpu.memref_squeeze %dma_start3A_55 : memref<1x128xi32, #tpu.memory_space<vmem>> -> memref<128xi32, #tpu.memory_space<vmem>>
    %dma_start3A_57 = arith.constant 0 : i32
    %dma_start3A_58 = arith.constant 0 : i32
    %dma_start3A_59 = tpu.memref_slice %arg4[%dma_start3A_57, %dma_start3A_58] : memref<1000000x32xf32, #tpu.memory_space<hbm>> -> memref<1000000x32xf32, #tpu.memory_space<hbm>>
    tpu.enqueue_indirect_dma source(%dma_start3A_59 : memref<1000000x32xf32, #tpu.memory_space<hbm>>) target(%dma_start3A_53 : memref<128x32xf32, #tpu.memory_space<vmem>>) offsets(%dma_start3A_56 : memref<128xi32, #tpu.memory_space<vmem>>) semaphore(%arg9 : memref<!tpu.dma_semaphore, #tpu.memory_space<semaphore_mem>>)
    %dma_start3A_60 = arith.constant 5 : i32
    %dma_start3A_61 = arith.constant 5 : i32
    %dma_start3A_62 = arith.constant 0 : i32
    %dma_start3A_63 = arith.constant 0 : i32
    %dma_start3A_64 = tpu.memref_slice %arg8[%dma_start3A_61, %dma_start3A_62, %dma_start3A_63] : memref<8x128x32xf32, #tpu.memory_space<vmem>> -> memref<1x128x32xf32, #tpu.memory_space<vmem>>
    %dma_start3A_65 = tpu.memref_squeeze %dma_start3A_64 : memref<1x128x32xf32, #tpu.memory_space<vmem>> -> memref<128x32xf32, #tpu.memory_space<vmem>>
    %dma_start3A_66 = arith.constant 0 : i32
    %dma_start3A_67 = tpu.memref_slice %arg6[%dma_start3A_60, %dma_start3A_66] : memref<200x128xi32, #tpu.memory_space<vmem>> -> memref<1x128xi32, #tpu.memory_space<vmem>>
    %dma_start3A_68 = tpu.memref_squeeze %dma_start3A_67 : memref<1x128xi32, #tpu.memory_space<vmem>> -> memref<128xi32, #tpu.memory_space<vmem>>
    %dma_start3A_69 = arith.constant 0 : i32
    %dma_start3A_70 = arith.constant 0 : i32
    %dma_start3A_71 = tpu.memref_slice %arg4[%dma_start3A_69, %dma_start3A_70] : memref<1000000x32xf32, #tpu.memory_space<hbm>> -> memref<1000000x32xf32, #tpu.memory_space<hbm>>
    tpu.enqueue_indirect_dma source(%dma_start3A_71 : memref<1000000x32xf32, #tpu.memory_space<hbm>>) target(%dma_start3A_65 : memref<128x32xf32, #tpu.memory_space<vmem>>) offsets(%dma_start3A_68 : memref<128xi32, #tpu.memory_space<vmem>>) semaphore(%arg9 : memref<!tpu.dma_semaphore, #tpu.memory_space<semaphore_mem>>)
    %dma_start3A_72 = arith.constant 6 : i32
    %dma_start3A_73 = arith.constant 6 : i32
    %dma_start3A_74 = arith.constant 0 : i32
    %dma_start3A_75 = arith.constant 0 : i32
    %dma_start3A_76 = tpu.memref_slice %arg8[%dma_start3A_73, %dma_start3A_74, %dma_start3A_75] : memref<8x128x32xf32, #tpu.memory_space<vmem>> -> memref<1x128x32xf32, #tpu.memory_space<vmem>>
    %dma_start3A_77 = tpu.memref_squeeze %dma_start3A_76 : memref<1x128x32xf32, #tpu.memory_space<vmem>> -> memref<128x32xf32, #tpu.memory_space<vmem>>
    %dma_start3A_78 = arith.constant 0 : i32
    %dma_start3A_79 = tpu.memref_slice %arg6[%dma_start3A_72, %dma_start3A_78] : memref<200x128xi32, #tpu.memory_space<vmem>> -> memref<1x128xi32, #tpu.memory_space<vmem>>
    %dma_start3A_80 = tpu.memref_squeeze %dma_start3A_79 : memref<1x128xi32, #tpu.memory_space<vmem>> -> memref<128xi32, #tpu.memory_space<vmem>>
    %dma_start3A_81 = arith.constant 0 : i32
    %dma_start3A_82 = arith.constant 0 : i32
    %dma_start3A_83 = tpu.memref_slice %arg4[%dma_start3A_81, %dma_start3A_82] : memref<1000000x32xf32, #tpu.memory_space<hbm>> -> memref<1000000x32xf32, #tpu.memory_space<hbm>>
    tpu.enqueue_indirect_dma source(%dma_start3A_83 : memref<1000000x32xf32, #tpu.memory_space<hbm>>) target(%dma_start3A_77 : memref<128x32xf32, #tpu.memory_space<vmem>>) offsets(%dma_start3A_80 : memref<128xi32, #tpu.memory_space<vmem>>) semaphore(%arg9 : memref<!tpu.dma_semaphore, #tpu.memory_space<semaphore_mem>>)
    %dma_start3A_84 = arith.constant 7 : i32
    %dma_start3A_85 = arith.constant 7 : i32
    %dma_start3A_86 = arith.constant 0 : i32
    %dma_start3A_87 = arith.constant 0 : i32
    %dma_start3A_88 = tpu.memref_slice %arg8[%dma_start3A_85, %dma_start3A_86, %dma_start3A_87] : memref<8x128x32xf32, #tpu.memory_space<vmem>> -> memref<1x128x32xf32, #tpu.memory_space<vmem>>
    %dma_start3A_89 = tpu.memref_squeeze %dma_start3A_88 : memref<1x128x32xf32, #tpu.memory_space<vmem>> -> memref<128x32xf32, #tpu.memory_space<vmem>>
    %dma_start3A_90 = arith.constant 0 : i32
    %dma_start3A_91 = tpu.memref_slice %arg6[%dma_start3A_84, %dma_start3A_90] : memref<200x128xi32, #tpu.memory_space<vmem>> -> memref<1x128xi32, #tpu.memory_space<vmem>>
    %dma_start3A_92 = tpu.memref_squeeze %dma_start3A_91 : memref<1x128xi32, #tpu.memory_space<vmem>> -> memref<128xi32, #tpu.memory_space<vmem>>
    %dma_start3A_93 = arith.constant 0 : i32
    %dma_start3A_94 = arith.constant 0 : i32
    %dma_start3A_95 = tpu.memref_slice %arg4[%dma_start3A_93, %dma_start3A_94] : memref<1000000x32xf32, #tpu.memory_space<hbm>> -> memref<1000000x32xf32, #tpu.memory_space<hbm>>
    tpu.enqueue_indirect_dma source(%dma_start3A_95 : memref<1000000x32xf32, #tpu.memory_space<hbm>>) target(%dma_start3A_89 : memref<128x32xf32, #tpu.memory_space<vmem>>) offsets(%dma_start3A_92 : memref<128xi32, #tpu.memory_space<vmem>>) semaphore(%arg9 : memref<!tpu.dma_semaphore, #tpu.memory_space<semaphore_mem>>)
    %scan3A = arith.constant 0 : i32
    %scan3A_96 = arith.constant 25 : i32
    %scan3A_97 = arith.addi %scan3A, %scan3A_96 : i32
    %scan3A_98 = arith.constant 1 : i32
    scf.for %scan3A_100 = %scan3A to %scan3A_97 step %scan3A_98  : i32 {
      %mul3A_101 = arith.constant 8 : i32
      %mul3A_102 = arith.muli %scan3A_100, %mul3A_101 : i32
      %add3A_103 = arith.constant 0 : i32
      %add3A_104 = arith.addi %mul3A_102, %add3A_103 : i32
      %dma_wait3A = arith.constant 0 : i32
      %dma_wait3A_105 = arith.constant 0 : i32
      %dma_wait3A_106 = arith.constant 0 : i32
      %dma_wait3A_107 = tpu.memref_slice %arg8[%dma_wait3A, %dma_wait3A_105, %dma_wait3A_106] : memref<8x128x32xf32, #tpu.memory_space<vmem>> -> memref<1x128x32xf32, #tpu.memory_space<vmem>>
      %dma_wait3A_108 = tpu.memref_squeeze %dma_wait3A_107 : memref<1x128x32xf32, #tpu.memory_space<vmem>> -> memref<128x32xf32, #tpu.memory_space<vmem>>
      %dma_wait3A_109 = arith.constant 0 : i32
      %dma_wait3A_110 = tpu.memref_slice %arg6[%add3A_104, %dma_wait3A_109] : memref<200x128xi32, #tpu.memory_space<vmem>> -> memref<1x128xi32, #tpu.memory_space<vmem>>
      %dma_wait3A_111 = tpu.memref_squeeze %dma_wait3A_110 : memref<1x128xi32, #tpu.memory_space<vmem>> -> memref<128xi32, #tpu.memory_space<vmem>>
      %dma_wait3A_112 = arith.constant 0 : i32
      %dma_wait3A_113 = arith.constant 0 : i32
      %dma_wait3A_114 = tpu.memref_slice %arg4[%dma_wait3A_112, %dma_wait3A_113] : memref<1000000x32xf32, #tpu.memory_space<hbm>> -> memref<1000000x32xf32, #tpu.memory_space<hbm>>
      tpu.wait_indirect_dma semaphore(%arg9 : memref<!tpu.dma_semaphore, #tpu.memory_space<semaphore_mem>>) src(%dma_wait3A_114 : memref<1000000x32xf32, #tpu.memory_space<hbm>>) dst(%dma_wait3A_108 : memref<128x32xf32, #tpu.memory_space<vmem>>)
      %dma_start3A_115 = arith.constant 0 : i32
      %dma_start3A_116 = arith.constant 0 : i32
      %dma_start3A_117 = arith.constant 0 : i32
      %dma_start3A_118 = tpu.memref_slice %arg8[%dma_start3A_115, %dma_start3A_116, %dma_start3A_117] : memref<8x128x32xf32, #tpu.memory_space<vmem>> -> memref<1x128x32xf32, #tpu.memory_space<vmem>>
      %dma_start3A_119 = tpu.memref_squeeze %dma_start3A_118 : memref<1x128x32xf32, #tpu.memory_space<vmem>> -> memref<128x32xf32, #tpu.memory_space<vmem>>
      %dma_start3A_120 = arith.constant 0 : i32
      %dma_start3A_121 = tpu.memref_slice %arg7[%add3A_104, %dma_start3A_120] : memref<200x128xi32, #tpu.memory_space<vmem>> -> memref<1x128xi32, #tpu.memory_space<vmem>>
      %dma_start3A_122 = tpu.memref_squeeze %dma_start3A_121 : memref<1x128xi32, #tpu.memory_space<vmem>> -> memref<128xi32, #tpu.memory_space<vmem>>
      %dma_start3A_123 = arith.constant 0 : i32
      %dma_start3A_124 = arith.constant 0 : i32
      %dma_start3A_125 = tpu.memref_slice %arg5[%dma_start3A_123, %dma_start3A_124] : memref<819200x32xf32, #tpu.memory_space<hbm>> -> memref<819200x32xf32, #tpu.memory_space<hbm>>
      tpu.enqueue_indirect_dma source(%dma_start3A_119 : memref<128x32xf32, #tpu.memory_space<vmem>>) target(%dma_start3A_125 : memref<819200x32xf32, #tpu.memory_space<hbm>>) offsets(%dma_start3A_122 : memref<128xi32, #tpu.memory_space<vmem>>) semaphore(%arg10 : memref<!tpu.dma_semaphore, #tpu.memory_space<semaphore_mem>>)
      %mul3A_126 = arith.constant 8 : i32
      %mul3A_127 = arith.muli %scan3A_100, %mul3A_126 : i32
      %add3A_128 = arith.constant 1 : i32
      %add3A_129 = arith.addi %mul3A_127, %add3A_128 : i32
      %dma_wait3A_130 = arith.constant 1 : i32
      %dma_wait3A_131 = arith.constant 0 : i32
      %dma_wait3A_132 = arith.constant 0 : i32
      %dma_wait3A_133 = tpu.memref_slice %arg8[%dma_wait3A_130, %dma_wait3A_131, %dma_wait3A_132] : memref<8x128x32xf32, #tpu.memory_space<vmem>> -> memref<1x128x32xf32, #tpu.memory_space<vmem>>
      %dma_wait3A_134 = tpu.memref_squeeze %dma_wait3A_133 : memref<1x128x32xf32, #tpu.memory_space<vmem>> -> memref<128x32xf32, #tpu.memory_space<vmem>>
      %dma_wait3A_135 = arith.constant 0 : i32
      %dma_wait3A_136 = tpu.memref_slice %arg6[%add3A_129, %dma_wait3A_135] : memref<200x128xi32, #tpu.memory_space<vmem>> -> memref<1x128xi32, #tpu.memory_space<vmem>>
      %dma_wait3A_137 = tpu.memref_squeeze %dma_wait3A_136 : memref<1x128xi32, #tpu.memory_space<vmem>> -> memref<128xi32, #tpu.memory_space<vmem>>
      %dma_wait3A_138 = arith.constant 0 : i32
      %dma_wait3A_139 = arith.constant 0 : i32
      %dma_wait3A_140 = tpu.memref_slice %arg4[%dma_wait3A_138, %dma_wait3A_139] : memref<1000000x32xf32, #tpu.memory_space<hbm>> -> memref<1000000x32xf32, #tpu.memory_space<hbm>>
      tpu.wait_indirect_dma semaphore(%arg9 : memref<!tpu.dma_semaphore, #tpu.memory_space<semaphore_mem>>) src(%dma_wait3A_140 : memref<1000000x32xf32, #tpu.memory_space<hbm>>) dst(%dma_wait3A_134 : memref<128x32xf32, #tpu.memory_space<vmem>>)
      %dma_start3A_141 = arith.constant 1 : i32
      %dma_start3A_142 = arith.constant 0 : i32
      %dma_start3A_143 = arith.constant 0 : i32
      %dma_start3A_144 = tpu.memref_slice %arg8[%dma_start3A_141, %dma_start3A_142, %dma_start3A_143] : memref<8x128x32xf32, #tpu.memory_space<vmem>> -> memref<1x128x32xf32, #tpu.memory_space<vmem>>
      %dma_start3A_145 = tpu.memref_squeeze %dma_start3A_144 : memref<1x128x32xf32, #tpu.memory_space<vmem>> -> memref<128x32xf32, #tpu.memory_space<vmem>>
      %dma_start3A_146 = arith.constant 0 : i32
      %dma_start3A_147 = tpu.memref_slice %arg7[%add3A_129, %dma_start3A_146] : memref<200x128xi32, #tpu.memory_space<vmem>> -> memref<1x128xi32, #tpu.memory_space<vmem>>
      %dma_start3A_148 = tpu.memref_squeeze %dma_start3A_147 : memref<1x128xi32, #tpu.memory_space<vmem>> -> memref<128xi32, #tpu.memory_space<vmem>>
      %dma_start3A_149 = arith.constant 0 : i32
      %dma_start3A_150 = arith.constant 0 : i32
      %dma_start3A_151 = tpu.memref_slice %arg5[%dma_start3A_149, %dma_start3A_150] : memref<819200x32xf32, #tpu.memory_space<hbm>> -> memref<819200x32xf32, #tpu.memory_space<hbm>>
      tpu.enqueue_indirect_dma source(%dma_start3A_145 : memref<128x32xf32, #tpu.memory_space<vmem>>) target(%dma_start3A_151 : memref<819200x32xf32, #tpu.memory_space<hbm>>) offsets(%dma_start3A_148 : memref<128xi32, #tpu.memory_space<vmem>>) semaphore(%arg10 : memref<!tpu.dma_semaphore, #tpu.memory_space<semaphore_mem>>)
      %mul3A_152 = arith.constant 8 : i32
      %mul3A_153 = arith.muli %scan3A_100, %mul3A_152 : i32
      %add3A_154 = arith.constant 2 : i32
      %add3A_155 = arith.addi %mul3A_153, %add3A_154 : i32
      %dma_wait3A_156 = arith.constant 2 : i32
      %dma_wait3A_157 = arith.constant 0 : i32
      %dma_wait3A_158 = arith.constant 0 : i32
      %dma_wait3A_159 = tpu.memref_slice %arg8[%dma_wait3A_156, %dma_wait3A_157, %dma_wait3A_158] : memref<8x128x32xf32, #tpu.memory_space<vmem>> -> memref<1x128x32xf32, #tpu.memory_space<vmem>>
      %dma_wait3A_160 = tpu.memref_squeeze %dma_wait3A_159 : memref<1x128x32xf32, #tpu.memory_space<vmem>> -> memref<128x32xf32, #tpu.memory_space<vmem>>
      %dma_wait3A_161 = arith.constant 0 : i32
      %dma_wait3A_162 = tpu.memref_slice %arg6[%add3A_155, %dma_wait3A_161] : memref<200x128xi32, #tpu.memory_space<vmem>> -> memref<1x128xi32, #tpu.memory_space<vmem>>
      %dma_wait3A_163 = tpu.memref_squeeze %dma_wait3A_162 : memref<1x128xi32, #tpu.memory_space<vmem>> -> memref<128xi32, #tpu.memory_space<vmem>>
      %dma_wait3A_164 = arith.constant 0 : i32
      %dma_wait3A_165 = arith.constant 0 : i32
      %dma_wait3A_166 = tpu.memref_slice %arg4[%dma_wait3A_164, %dma_wait3A_165] : memref<1000000x32xf32, #tpu.memory_space<hbm>> -> memref<1000000x32xf32, #tpu.memory_space<hbm>>
      tpu.wait_indirect_dma semaphore(%arg9 : memref<!tpu.dma_semaphore, #tpu.memory_space<semaphore_mem>>) src(%dma_wait3A_166 : memref<1000000x32xf32, #tpu.memory_space<hbm>>) dst(%dma_wait3A_160 : memref<128x32xf32, #tpu.memory_space<vmem>>)
      %dma_start3A_167 = arith.constant 2 : i32
      %dma_start3A_168 = arith.constant 0 : i32
      %dma_start3A_169 = arith.constant 0 : i32
      %dma_start3A_170 = tpu.memref_slice %arg8[%dma_start3A_167, %dma_start3A_168, %dma_start3A_169] : memref<8x128x32xf32, #tpu.memory_space<vmem>> -> memref<1x128x32xf32, #tpu.memory_space<vmem>>
      %dma_start3A_171 = tpu.memref_squeeze %dma_start3A_170 : memref<1x128x32xf32, #tpu.memory_space<vmem>> -> memref<128x32xf32, #tpu.memory_space<vmem>>
      %dma_start3A_172 = arith.constant 0 : i32
      %dma_start3A_173 = tpu.memref_slice %arg7[%add3A_155, %dma_start3A_172] : memref<200x128xi32, #tpu.memory_space<vmem>> -> memref<1x128xi32, #tpu.memory_space<vmem>>
      %dma_start3A_174 = tpu.memref_squeeze %dma_start3A_173 : memref<1x128xi32, #tpu.memory_space<vmem>> -> memref<128xi32, #tpu.memory_space<vmem>>
      %dma_start3A_175 = arith.constant 0 : i32
      %dma_start3A_176 = arith.constant 0 : i32
      %dma_start3A_177 = tpu.memref_slice %arg5[%dma_start3A_175, %dma_start3A_176] : memref<819200x32xf32, #tpu.memory_space<hbm>> -> memref<819200x32xf32, #tpu.memory_space<hbm>>
      tpu.enqueue_indirect_dma source(%dma_start3A_171 : memref<128x32xf32, #tpu.memory_space<vmem>>) target(%dma_start3A_177 : memref<819200x32xf32, #tpu.memory_space<hbm>>) offsets(%dma_start3A_174 : memref<128xi32, #tpu.memory_space<vmem>>) semaphore(%arg10 : memref<!tpu.dma_semaphore, #tpu.memory_space<semaphore_mem>>)
      %mul3A_178 = arith.constant 8 : i32
      %mul3A_179 = arith.muli %scan3A_100, %mul3A_178 : i32
      %add3A_180 = arith.constant 3 : i32
      %add3A_181 = arith.addi %mul3A_179, %add3A_180 : i32
      %dma_wait3A_182 = arith.constant 3 : i32
      %dma_wait3A_183 = arith.constant 0 : i32
      %dma_wait3A_184 = arith.constant 0 : i32
      %dma_wait3A_185 = tpu.memref_slice %arg8[%dma_wait3A_182, %dma_wait3A_183, %dma_wait3A_184] : memref<8x128x32xf32, #tpu.memory_space<vmem>> -> memref<1x128x32xf32, #tpu.memory_space<vmem>>
      %dma_wait3A_186 = tpu.memref_squeeze %dma_wait3A_185 : memref<1x128x32xf32, #tpu.memory_space<vmem>> -> memref<128x32xf32, #tpu.memory_space<vmem>>
      %dma_wait3A_187 = arith.constant 0 : i32
      %dma_wait3A_188 = tpu.memref_slice %arg6[%add3A_181, %dma_wait3A_187] : memref<200x128xi32, #tpu.memory_space<vmem>> -> memref<1x128xi32, #tpu.memory_space<vmem>>
      %dma_wait3A_189 = tpu.memref_squeeze %dma_wait3A_188 : memref<1x128xi32, #tpu.memory_space<vmem>> -> memref<128xi32, #tpu.memory_space<vmem>>
      %dma_wait3A_190 = arith.constant 0 : i32
      %dma_wait3A_191 = arith.constant 0 : i32
      %dma_wait3A_192 = tpu.memref_slice %arg4[%dma_wait3A_190, %dma_wait3A_191] : memref<1000000x32xf32, #tpu.memory_space<hbm>> -> memref<1000000x32xf32, #tpu.memory_space<hbm>>
      tpu.wait_indirect_dma semaphore(%arg9 : memref<!tpu.dma_semaphore, #tpu.memory_space<semaphore_mem>>) src(%dma_wait3A_192 : memref<1000000x32xf32, #tpu.memory_space<hbm>>) dst(%dma_wait3A_186 : memref<128x32xf32, #tpu.memory_space<vmem>>)
      %dma_start3A_193 = arith.constant 3 : i32
      %dma_start3A_194 = arith.constant 0 : i32
      %dma_start3A_195 = arith.constant 0 : i32
      %dma_start3A_196 = tpu.memref_slice %arg8[%dma_start3A_193, %dma_start3A_194, %dma_start3A_195] : memref<8x128x32xf32, #tpu.memory_space<vmem>> -> memref<1x128x32xf32, #tpu.memory_space<vmem>>
      %dma_start3A_197 = tpu.memref_squeeze %dma_start3A_196 : memref<1x128x32xf32, #tpu.memory_space<vmem>> -> memref<128x32xf32, #tpu.memory_space<vmem>>
      %dma_start3A_198 = arith.constant 0 : i32
      %dma_start3A_199 = tpu.memref_slice %arg7[%add3A_181, %dma_start3A_198] : memref<200x128xi32, #tpu.memory_space<vmem>> -> memref<1x128xi32, #tpu.memory_space<vmem>>
      %dma_start3A_200 = tpu.memref_squeeze %dma_start3A_199 : memref<1x128xi32, #tpu.memory_space<vmem>> -> memref<128xi32, #tpu.memory_space<vmem>>
      %dma_start3A_201 = arith.constant 0 : i32
      %dma_start3A_202 = arith.constant 0 : i32
      %dma_start3A_203 = tpu.memref_slice %arg5[%dma_start3A_201, %dma_start3A_202] : memref<819200x32xf32, #tpu.memory_space<hbm>> -> memref<819200x32xf32, #tpu.memory_space<hbm>>
      tpu.enqueue_indirect_dma source(%dma_start3A_197 : memref<128x32xf32, #tpu.memory_space<vmem>>) target(%dma_start3A_203 : memref<819200x32xf32, #tpu.memory_space<hbm>>) offsets(%dma_start3A_200 : memref<128xi32, #tpu.memory_space<vmem>>) semaphore(%arg10 : memref<!tpu.dma_semaphore, #tpu.memory_space<semaphore_mem>>)
      %mul3A_204 = arith.constant 8 : i32
      %mul3A_205 = arith.muli %scan3A_100, %mul3A_204 : i32
      %add3A_206 = arith.constant 4 : i32
      %add3A_207 = arith.addi %mul3A_205, %add3A_206 : i32
      %dma_wait3A_208 = arith.constant 4 : i32
      %dma_wait3A_209 = arith.constant 0 : i32
      %dma_wait3A_210 = arith.constant 0 : i32
      %dma_wait3A_211 = tpu.memref_slice %arg8[%dma_wait3A_208, %dma_wait3A_209, %dma_wait3A_210] : memref<8x128x32xf32, #tpu.memory_space<vmem>> -> memref<1x128x32xf32, #tpu.memory_space<vmem>>
      %dma_wait3A_212 = tpu.memref_squeeze %dma_wait3A_211 : memref<1x128x32xf32, #tpu.memory_space<vmem>> -> memref<128x32xf32, #tpu.memory_space<vmem>>
      %dma_wait3A_213 = arith.constant 0 : i32
      %dma_wait3A_214 = tpu.memref_slice %arg6[%add3A_207, %dma_wait3A_213] : memref<200x128xi32, #tpu.memory_space<vmem>> -> memref<1x128xi32, #tpu.memory_space<vmem>>
      %dma_wait3A_215 = tpu.memref_squeeze %dma_wait3A_214 : memref<1x128xi32, #tpu.memory_space<vmem>> -> memref<128xi32, #tpu.memory_space<vmem>>
      %dma_wait3A_216 = arith.constant 0 : i32
      %dma_wait3A_217 = arith.constant 0 : i32
      %dma_wait3A_218 = tpu.memref_slice %arg4[%dma_wait3A_216, %dma_wait3A_217] : memref<1000000x32xf32, #tpu.memory_space<hbm>> -> memref<1000000x32xf32, #tpu.memory_space<hbm>>
      tpu.wait_indirect_dma semaphore(%arg9 : memref<!tpu.dma_semaphore, #tpu.memory_space<semaphore_mem>>) src(%dma_wait3A_218 : memref<1000000x32xf32, #tpu.memory_space<hbm>>) dst(%dma_wait3A_212 : memref<128x32xf32, #tpu.memory_space<vmem>>)
      %dma_start3A_219 = arith.constant 4 : i32
      %dma_start3A_220 = arith.constant 0 : i32
      %dma_start3A_221 = arith.constant 0 : i32
      %dma_start3A_222 = tpu.memref_slice %arg8[%dma_start3A_219, %dma_start3A_220, %dma_start3A_221] : memref<8x128x32xf32, #tpu.memory_space<vmem>> -> memref<1x128x32xf32, #tpu.memory_space<vmem>>
      %dma_start3A_223 = tpu.memref_squeeze %dma_start3A_222 : memref<1x128x32xf32, #tpu.memory_space<vmem>> -> memref<128x32xf32, #tpu.memory_space<vmem>>
      %dma_start3A_224 = arith.constant 0 : i32
      %dma_start3A_225 = tpu.memref_slice %arg7[%add3A_207, %dma_start3A_224] : memref<200x128xi32, #tpu.memory_space<vmem>> -> memref<1x128xi32, #tpu.memory_space<vmem>>
      %dma_start3A_226 = tpu.memref_squeeze %dma_start3A_225 : memref<1x128xi32, #tpu.memory_space<vmem>> -> memref<128xi32, #tpu.memory_space<vmem>>
      %dma_start3A_227 = arith.constant 0 : i32
      %dma_start3A_228 = arith.constant 0 : i32
      %dma_start3A_229 = tpu.memref_slice %arg5[%dma_start3A_227, %dma_start3A_228] : memref<819200x32xf32, #tpu.memory_space<hbm>> -> memref<819200x32xf32, #tpu.memory_space<hbm>>
      tpu.enqueue_indirect_dma source(%dma_start3A_223 : memref<128x32xf32, #tpu.memory_space<vmem>>) target(%dma_start3A_229 : memref<819200x32xf32, #tpu.memory_space<hbm>>) offsets(%dma_start3A_226 : memref<128xi32, #tpu.memory_space<vmem>>) semaphore(%arg10 : memref<!tpu.dma_semaphore, #tpu.memory_space<semaphore_mem>>)
      %mul3A_230 = arith.constant 8 : i32
      %mul3A_231 = arith.muli %scan3A_100, %mul3A_230 : i32
      %add3A_232 = arith.constant 5 : i32
      %add3A_233 = arith.addi %mul3A_231, %add3A_232 : i32
      %dma_wait3A_234 = arith.constant 5 : i32
      %dma_wait3A_235 = arith.constant 0 : i32
      %dma_wait3A_236 = arith.constant 0 : i32
      %dma_wait3A_237 = tpu.memref_slice %arg8[%dma_wait3A_234, %dma_wait3A_235, %dma_wait3A_236] : memref<8x128x32xf32, #tpu.memory_space<vmem>> -> memref<1x128x32xf32, #tpu.memory_space<vmem>>
      %dma_wait3A_238 = tpu.memref_squeeze %dma_wait3A_237 : memref<1x128x32xf32, #tpu.memory_space<vmem>> -> memref<128x32xf32, #tpu.memory_space<vmem>>
      %dma_wait3A_239 = arith.constant 0 : i32
      %dma_wait3A_240 = tpu.memref_slice %arg6[%add3A_233, %dma_wait3A_239] : memref<200x128xi32, #tpu.memory_space<vmem>> -> memref<1x128xi32, #tpu.memory_space<vmem>>
      %dma_wait3A_241 = tpu.memref_squeeze %dma_wait3A_240 : memref<1x128xi32, #tpu.memory_space<vmem>> -> memref<128xi32, #tpu.memory_space<vmem>>
      %dma_wait3A_242 = arith.constant 0 : i32
      %dma_wait3A_243 = arith.constant 0 : i32
      %dma_wait3A_244 = tpu.memref_slice %arg4[%dma_wait3A_242, %dma_wait3A_243] : memref<1000000x32xf32, #tpu.memory_space<hbm>> -> memref<1000000x32xf32, #tpu.memory_space<hbm>>
      tpu.wait_indirect_dma semaphore(%arg9 : memref<!tpu.dma_semaphore, #tpu.memory_space<semaphore_mem>>) src(%dma_wait3A_244 : memref<1000000x32xf32, #tpu.memory_space<hbm>>) dst(%dma_wait3A_238 : memref<128x32xf32, #tpu.memory_space<vmem>>)
      %dma_start3A_245 = arith.constant 5 : i32
      %dma_start3A_246 = arith.constant 0 : i32
      %dma_start3A_247 = arith.constant 0 : i32
      %dma_start3A_248 = tpu.memref_slice %arg8[%dma_start3A_245, %dma_start3A_246, %dma_start3A_247] : memref<8x128x32xf32, #tpu.memory_space<vmem>> -> memref<1x128x32xf32, #tpu.memory_space<vmem>>
      %dma_start3A_249 = tpu.memref_squeeze %dma_start3A_248 : memref<1x128x32xf32, #tpu.memory_space<vmem>> -> memref<128x32xf32, #tpu.memory_space<vmem>>
      %dma_start3A_250 = arith.constant 0 : i32
      %dma_start3A_251 = tpu.memref_slice %arg7[%add3A_233, %dma_start3A_250] : memref<200x128xi32, #tpu.memory_space<vmem>> -> memref<1x128xi32, #tpu.memory_space<vmem>>
      %dma_start3A_252 = tpu.memref_squeeze %dma_start3A_251 : memref<1x128xi32, #tpu.memory_space<vmem>> -> memref<128xi32, #tpu.memory_space<vmem>>
      %dma_start3A_253 = arith.constant 0 : i32
      %dma_start3A_254 = arith.constant 0 : i32
      %dma_start3A_255 = tpu.memref_slice %arg5[%dma_start3A_253, %dma_start3A_254] : memref<819200x32xf32, #tpu.memory_space<hbm>> -> memref<819200x32xf32, #tpu.memory_space<hbm>>
      tpu.enqueue_indirect_dma source(%dma_start3A_249 : memref<128x32xf32, #tpu.memory_space<vmem>>) target(%dma_start3A_255 : memref<819200x32xf32, #tpu.memory_space<hbm>>) offsets(%dma_start3A_252 : memref<128xi32, #tpu.memory_space<vmem>>) semaphore(%arg10 : memref<!tpu.dma_semaphore, #tpu.memory_space<semaphore_mem>>)
      %mul3A_256 = arith.constant 8 : i32
      %mul3A_257 = arith.muli %scan3A_100, %mul3A_256 : i32
      %add3A_258 = arith.constant 6 : i32
      %add3A_259 = arith.addi %mul3A_257, %add3A_258 : i32
      %dma_wait3A_260 = arith.constant 6 : i32
      %dma_wait3A_261 = arith.constant 0 : i32
      %dma_wait3A_262 = arith.constant 0 : i32
      %dma_wait3A_263 = tpu.memref_slice %arg8[%dma_wait3A_260, %dma_wait3A_261, %dma_wait3A_262] : memref<8x128x32xf32, #tpu.memory_space<vmem>> -> memref<1x128x32xf32, #tpu.memory_space<vmem>>
      %dma_wait3A_264 = tpu.memref_squeeze %dma_wait3A_263 : memref<1x128x32xf32, #tpu.memory_space<vmem>> -> memref<128x32xf32, #tpu.memory_space<vmem>>
      %dma_wait3A_265 = arith.constant 0 : i32
      %dma_wait3A_266 = tpu.memref_slice %arg6[%add3A_259, %dma_wait3A_265] : memref<200x128xi32, #tpu.memory_space<vmem>> -> memref<1x128xi32, #tpu.memory_space<vmem>>
      %dma_wait3A_267 = tpu.memref_squeeze %dma_wait3A_266 : memref<1x128xi32, #tpu.memory_space<vmem>> -> memref<128xi32, #tpu.memory_space<vmem>>
      %dma_wait3A_268 = arith.constant 0 : i32
      %dma_wait3A_269 = arith.constant 0 : i32
      %dma_wait3A_270 = tpu.memref_slice %arg4[%dma_wait3A_268, %dma_wait3A_269] : memref<1000000x32xf32, #tpu.memory_space<hbm>> -> memref<1000000x32xf32, #tpu.memory_space<hbm>>
      tpu.wait_indirect_dma semaphore(%arg9 : memref<!tpu.dma_semaphore, #tpu.memory_space<semaphore_mem>>) src(%dma_wait3A_270 : memref<1000000x32xf32, #tpu.memory_space<hbm>>) dst(%dma_wait3A_264 : memref<128x32xf32, #tpu.memory_space<vmem>>)
      %dma_start3A_271 = arith.constant 6 : i32
      %dma_start3A_272 = arith.constant 0 : i32
      %dma_start3A_273 = arith.constant 0 : i32
      %dma_start3A_274 = tpu.memref_slice %arg8[%dma_start3A_271, %dma_start3A_272, %dma_start3A_273] : memref<8x128x32xf32, #tpu.memory_space<vmem>> -> memref<1x128x32xf32, #tpu.memory_space<vmem>>
      %dma_start3A_275 = tpu.memref_squeeze %dma_start3A_274 : memref<1x128x32xf32, #tpu.memory_space<vmem>> -> memref<128x32xf32, #tpu.memory_space<vmem>>
      %dma_start3A_276 = arith.constant 0 : i32
      %dma_start3A_277 = tpu.memref_slice %arg7[%add3A_259, %dma_start3A_276] : memref<200x128xi32, #tpu.memory_space<vmem>> -> memref<1x128xi32, #tpu.memory_space<vmem>>
      %dma_start3A_278 = tpu.memref_squeeze %dma_start3A_277 : memref<1x128xi32, #tpu.memory_space<vmem>> -> memref<128xi32, #tpu.memory_space<vmem>>
      %dma_start3A_279 = arith.constant 0 : i32
      %dma_start3A_280 = arith.constant 0 : i32
      %dma_start3A_281 = tpu.memref_slice %arg5[%dma_start3A_279, %dma_start3A_280] : memref<819200x32xf32, #tpu.memory_space<hbm>> -> memref<819200x32xf32, #tpu.memory_space<hbm>>
      tpu.enqueue_indirect_dma source(%dma_start3A_275 : memref<128x32xf32, #tpu.memory_space<vmem>>) target(%dma_start3A_281 : memref<819200x32xf32, #tpu.memory_space<hbm>>) offsets(%dma_start3A_278 : memref<128xi32, #tpu.memory_space<vmem>>) semaphore(%arg10 : memref<!tpu.dma_semaphore, #tpu.memory_space<semaphore_mem>>)
      %mul3A_282 = arith.constant 8 : i32
      %mul3A_283 = arith.muli %scan3A_100, %mul3A_282 : i32
      %add3A_284 = arith.constant 7 : i32
      %add3A_285 = arith.addi %mul3A_283, %add3A_284 : i32
      %dma_wait3A_286 = arith.constant 7 : i32
      %dma_wait3A_287 = arith.constant 0 : i32
      %dma_wait3A_288 = arith.constant 0 : i32
      %dma_wait3A_289 = tpu.memref_slice %arg8[%dma_wait3A_286, %dma_wait3A_287, %dma_wait3A_288] : memref<8x128x32xf32, #tpu.memory_space<vmem>> -> memref<1x128x32xf32, #tpu.memory_space<vmem>>
      %dma_wait3A_290 = tpu.memref_squeeze %dma_wait3A_289 : memref<1x128x32xf32, #tpu.memory_space<vmem>> -> memref<128x32xf32, #tpu.memory_space<vmem>>
      %dma_wait3A_291 = arith.constant 0 : i32
      %dma_wait3A_292 = tpu.memref_slice %arg6[%add3A_285, %dma_wait3A_291] : memref<200x128xi32, #tpu.memory_space<vmem>> -> memref<1x128xi32, #tpu.memory_space<vmem>>
      %dma_wait3A_293 = tpu.memref_squeeze %dma_wait3A_292 : memref<1x128xi32, #tpu.memory_space<vmem>> -> memref<128xi32, #tpu.memory_space<vmem>>
      %dma_wait3A_294 = arith.constant 0 : i32
      %dma_wait3A_295 = arith.constant 0 : i32
      %dma_wait3A_296 = tpu.memref_slice %arg4[%dma_wait3A_294, %dma_wait3A_295] : memref<1000000x32xf32, #tpu.memory_space<hbm>> -> memref<1000000x32xf32, #tpu.memory_space<hbm>>
      tpu.wait_indirect_dma semaphore(%arg9 : memref<!tpu.dma_semaphore, #tpu.memory_space<semaphore_mem>>) src(%dma_wait3A_296 : memref<1000000x32xf32, #tpu.memory_space<hbm>>) dst(%dma_wait3A_290 : memref<128x32xf32, #tpu.memory_space<vmem>>)
      %dma_start3A_297 = arith.constant 7 : i32
      %dma_start3A_298 = arith.constant 0 : i32
      %dma_start3A_299 = arith.constant 0 : i32
      %dma_start3A_300 = tpu.memref_slice %arg8[%dma_start3A_297, %dma_start3A_298, %dma_start3A_299] : memref<8x128x32xf32, #tpu.memory_space<vmem>> -> memref<1x128x32xf32, #tpu.memory_space<vmem>>
      %dma_start3A_301 = tpu.memref_squeeze %dma_start3A_300 : memref<1x128x32xf32, #tpu.memory_space<vmem>> -> memref<128x32xf32, #tpu.memory_space<vmem>>
      %dma_start3A_302 = arith.constant 0 : i32
      %dma_start3A_303 = tpu.memref_slice %arg7[%add3A_285, %dma_start3A_302] : memref<200x128xi32, #tpu.memory_space<vmem>> -> memref<1x128xi32, #tpu.memory_space<vmem>>
      %dma_start3A_304 = tpu.memref_squeeze %dma_start3A_303 : memref<1x128xi32, #tpu.memory_space<vmem>> -> memref<128xi32, #tpu.memory_space<vmem>>
      %dma_start3A_305 = arith.constant 0 : i32
      %dma_start3A_306 = arith.constant 0 : i32
      %dma_start3A_307 = tpu.memref_slice %arg5[%dma_start3A_305, %dma_start3A_306] : memref<819200x32xf32, #tpu.memory_space<hbm>> -> memref<819200x32xf32, #tpu.memory_space<hbm>>
      tpu.enqueue_indirect_dma source(%dma_start3A_301 : memref<128x32xf32, #tpu.memory_space<vmem>>) target(%dma_start3A_307 : memref<819200x32xf32, #tpu.memory_space<hbm>>) offsets(%dma_start3A_304 : memref<128xi32, #tpu.memory_space<vmem>>) semaphore(%arg10 : memref<!tpu.dma_semaphore, #tpu.memory_space<semaphore_mem>>)
      %mul3A_308 = arith.constant 8 : i32
      %mul3A_309 = arith.muli %scan3A_100, %mul3A_308 : i32
      %add3A_310 = arith.constant 0 : i32
      %add3A_311 = arith.addi %mul3A_309, %add3A_310 : i32
      %dma_wait3A_312 = arith.constant 0 : i32
      %dma_wait3A_313 = arith.constant 0 : i32
      %dma_wait3A_314 = arith.constant 0 : i32
      %dma_wait3A_315 = tpu.memref_slice %arg8[%dma_wait3A_312, %dma_wait3A_313, %dma_wait3A_314] : memref<8x128x32xf32, #tpu.memory_space<vmem>> -> memref<1x128x32xf32, #tpu.memory_space<vmem>>
      %dma_wait3A_316 = tpu.memref_squeeze %dma_wait3A_315 : memref<1x128x32xf32, #tpu.memory_space<vmem>> -> memref<128x32xf32, #tpu.memory_space<vmem>>
      %dma_wait3A_317 = arith.constant 0 : i32
      %dma_wait3A_318 = tpu.memref_slice %arg7[%add3A_311, %dma_wait3A_317] : memref<200x128xi32, #tpu.memory_space<vmem>> -> memref<1x128xi32, #tpu.memory_space<vmem>>
      %dma_wait3A_319 = tpu.memref_squeeze %dma_wait3A_318 : memref<1x128xi32, #tpu.memory_space<vmem>> -> memref<128xi32, #tpu.memory_space<vmem>>
      %dma_wait3A_320 = arith.constant 0 : i32
      %dma_wait3A_321 = arith.constant 0 : i32
      %dma_wait3A_322 = tpu.memref_slice %arg5[%dma_wait3A_320, %dma_wait3A_321] : memref<819200x32xf32, #tpu.memory_space<hbm>> -> memref<819200x32xf32, #tpu.memory_space<hbm>>
      tpu.wait_indirect_dma semaphore(%arg10 : memref<!tpu.dma_semaphore, #tpu.memory_space<semaphore_mem>>) src(%dma_wait3A_316 : memref<128x32xf32, #tpu.memory_space<vmem>>) dst(%dma_wait3A_322 : memref<819200x32xf32, #tpu.memory_space<hbm>>)
      %add3A_323 = arith.constant 8 : i32
      %add3A_324 = arith.addi %add3A_311, %add3A_323 : i32
      %lt3A = arith.constant 200 : i32
      %lt3A_325 = arith.cmpi slt, %add3A_324, %lt3A : i32
      %convert_element_type3A = arith.extui %lt3A_325 : i1 to i32
      %cond3A = arith.constant 0 : i32
      %cond3A_326 = arith.cmpi ne, %convert_element_type3A, %cond3A : i32
      scf.if %cond3A_326 {
        %add3A_481 = arith.constant 8 : i32
        %add3A_482 = arith.addi %add3A_311, %add3A_481 : i32
        %dma_start3A_483 = arith.constant 0 : i32
        %dma_start3A_484 = arith.constant 0 : i32
        %dma_start3A_485 = arith.constant 0 : i32
        %dma_start3A_486 = tpu.memref_slice %arg8[%dma_start3A_483, %dma_start3A_484, %dma_start3A_485] : memref<8x128x32xf32, #tpu.memory_space<vmem>> -> memref<1x128x32xf32, #tpu.memory_space<vmem>>
        %dma_start3A_487 = tpu.memref_squeeze %dma_start3A_486 : memref<1x128x32xf32, #tpu.memory_space<vmem>> -> memref<128x32xf32, #tpu.memory_space<vmem>>
        %dma_start3A_488 = arith.constant 0 : i32
        %dma_start3A_489 = tpu.memref_slice %arg6[%add3A_482, %dma_start3A_488] : memref<200x128xi32, #tpu.memory_space<vmem>> -> memref<1x128xi32, #tpu.memory_space<vmem>>
        %dma_start3A_490 = tpu.memref_squeeze %dma_start3A_489 : memref<1x128xi32, #tpu.memory_space<vmem>> -> memref<128xi32, #tpu.memory_space<vmem>>
        %dma_start3A_491 = arith.constant 0 : i32
        %dma_start3A_492 = arith.constant 0 : i32
        %dma_start3A_493 = tpu.memref_slice %arg4[%dma_start3A_491, %dma_start3A_492] : memref<1000000x32xf32, #tpu.memory_space<hbm>> -> memref<1000000x32xf32, #tpu.memory_space<hbm>>
        tpu.enqueue_indirect_dma source(%dma_start3A_493 : memref<1000000x32xf32, #tpu.memory_space<hbm>>) target(%dma_start3A_487 : memref<128x32xf32, #tpu.memory_space<vmem>>) offsets(%dma_start3A_490 : memref<128xi32, #tpu.memory_space<vmem>>) semaphore(%arg9 : memref<!tpu.dma_semaphore, #tpu.memory_space<semaphore_mem>>)
      } else {
      }
      %mul3A_327 = arith.constant 8 : i32
      %mul3A_328 = arith.muli %scan3A_100, %mul3A_327 : i32
      %add3A_329 = arith.constant 1 : i32
      %add3A_330 = arith.addi %mul3A_328, %add3A_329 : i32
      %dma_wait3A_331 = arith.constant 1 : i32
      %dma_wait3A_332 = arith.constant 0 : i32
      %dma_wait3A_333 = arith.constant 0 : i32
      %dma_wait3A_334 = tpu.memref_slice %arg8[%dma_wait3A_331, %dma_wait3A_332, %dma_wait3A_333] : memref<8x128x32xf32, #tpu.memory_space<vmem>> -> memref<1x128x32xf32, #tpu.memory_space<vmem>>
      %dma_wait3A_335 = tpu.memref_squeeze %dma_wait3A_334 : memref<1x128x32xf32, #tpu.memory_space<vmem>> -> memref<128x32xf32, #tpu.memory_space<vmem>>
      %dma_wait3A_336 = arith.constant 0 : i32
      %dma_wait3A_337 = tpu.memref_slice %arg7[%add3A_330, %dma_wait3A_336] : memref<200x128xi32, #tpu.memory_space<vmem>> -> memref<1x128xi32, #tpu.memory_space<vmem>>
      %dma_wait3A_338 = tpu.memref_squeeze %dma_wait3A_337 : memref<1x128xi32, #tpu.memory_space<vmem>> -> memref<128xi32, #tpu.memory_space<vmem>>
      %dma_wait3A_339 = arith.constant 0 : i32
      %dma_wait3A_340 = arith.constant 0 : i32
      %dma_wait3A_341 = tpu.memref_slice %arg5[%dma_wait3A_339, %dma_wait3A_340] : memref<819200x32xf32, #tpu.memory_space<hbm>> -> memref<819200x32xf32, #tpu.memory_space<hbm>>
      tpu.wait_indirect_dma semaphore(%arg10 : memref<!tpu.dma_semaphore, #tpu.memory_space<semaphore_mem>>) src(%dma_wait3A_335 : memref<128x32xf32, #tpu.memory_space<vmem>>) dst(%dma_wait3A_341 : memref<819200x32xf32, #tpu.memory_space<hbm>>)
      %add3A_342 = arith.constant 8 : i32
      %add3A_343 = arith.addi %add3A_330, %add3A_342 : i32
      %lt3A_344 = arith.constant 200 : i32
      %lt3A_345 = arith.cmpi slt, %add3A_343, %lt3A_344 : i32
      %convert_element_type3A_346 = arith.extui %lt3A_345 : i1 to i32
      %cond3A_347 = arith.constant 0 : i32
      %cond3A_348 = arith.cmpi ne, %convert_element_type3A_346, %cond3A_347 : i32
      scf.if %cond3A_348 {
        %add3A_481 = arith.constant 8 : i32
        %add3A_482 = arith.addi %add3A_330, %add3A_481 : i32
        %dma_start3A_483 = arith.constant 1 : i32
        %dma_start3A_484 = arith.constant 0 : i32
        %dma_start3A_485 = arith.constant 0 : i32
        %dma_start3A_486 = tpu.memref_slice %arg8[%dma_start3A_483, %dma_start3A_484, %dma_start3A_485] : memref<8x128x32xf32, #tpu.memory_space<vmem>> -> memref<1x128x32xf32, #tpu.memory_space<vmem>>
        %dma_start3A_487 = tpu.memref_squeeze %dma_start3A_486 : memref<1x128x32xf32, #tpu.memory_space<vmem>> -> memref<128x32xf32, #tpu.memory_space<vmem>>
        %dma_start3A_488 = arith.constant 0 : i32
        %dma_start3A_489 = tpu.memref_slice %arg6[%add3A_482, %dma_start3A_488] : memref<200x128xi32, #tpu.memory_space<vmem>> -> memref<1x128xi32, #tpu.memory_space<vmem>>
        %dma_start3A_490 = tpu.memref_squeeze %dma_start3A_489 : memref<1x128xi32, #tpu.memory_space<vmem>> -> memref<128xi32, #tpu.memory_space<vmem>>
        %dma_start3A_491 = arith.constant 0 : i32
        %dma_start3A_492 = arith.constant 0 : i32
        %dma_start3A_493 = tpu.memref_slice %arg4[%dma_start3A_491, %dma_start3A_492] : memref<1000000x32xf32, #tpu.memory_space<hbm>> -> memref<1000000x32xf32, #tpu.memory_space<hbm>>
        tpu.enqueue_indirect_dma source(%dma_start3A_493 : memref<1000000x32xf32, #tpu.memory_space<hbm>>) target(%dma_start3A_487 : memref<128x32xf32, #tpu.memory_space<vmem>>) offsets(%dma_start3A_490 : memref<128xi32, #tpu.memory_space<vmem>>) semaphore(%arg9 : memref<!tpu.dma_semaphore, #tpu.memory_space<semaphore_mem>>)
      } else {
      }
      %mul3A_349 = arith.constant 8 : i32
      %mul3A_350 = arith.muli %scan3A_100, %mul3A_349 : i32
      %add3A_351 = arith.constant 2 : i32
      %add3A_352 = arith.addi %mul3A_350, %add3A_351 : i32
      %dma_wait3A_353 = arith.constant 2 : i32
      %dma_wait3A_354 = arith.constant 0 : i32
      %dma_wait3A_355 = arith.constant 0 : i32
      %dma_wait3A_356 = tpu.memref_slice %arg8[%dma_wait3A_353, %dma_wait3A_354, %dma_wait3A_355] : memref<8x128x32xf32, #tpu.memory_space<vmem>> -> memref<1x128x32xf32, #tpu.memory_space<vmem>>
      %dma_wait3A_357 = tpu.memref_squeeze %dma_wait3A_356 : memref<1x128x32xf32, #tpu.memory_space<vmem>> -> memref<128x32xf32, #tpu.memory_space<vmem>>
      %dma_wait3A_358 = arith.constant 0 : i32
      %dma_wait3A_359 = tpu.memref_slice %arg7[%add3A_352, %dma_wait3A_358] : memref<200x128xi32, #tpu.memory_space<vmem>> -> memref<1x128xi32, #tpu.memory_space<vmem>>
      %dma_wait3A_360 = tpu.memref_squeeze %dma_wait3A_359 : memref<1x128xi32, #tpu.memory_space<vmem>> -> memref<128xi32, #tpu.memory_space<vmem>>
      %dma_wait3A_361 = arith.constant 0 : i32
      %dma_wait3A_362 = arith.constant 0 : i32
      %dma_wait3A_363 = tpu.memref_slice %arg5[%dma_wait3A_361, %dma_wait3A_362] : memref<819200x32xf32, #tpu.memory_space<hbm>> -> memref<819200x32xf32, #tpu.memory_space<hbm>>
      tpu.wait_indirect_dma semaphore(%arg10 : memref<!tpu.dma_semaphore, #tpu.memory_space<semaphore_mem>>) src(%dma_wait3A_357 : memref<128x32xf32, #tpu.memory_space<vmem>>) dst(%dma_wait3A_363 : memref<819200x32xf32, #tpu.memory_space<hbm>>)
      %add3A_364 = arith.constant 8 : i32
      %add3A_365 = arith.addi %add3A_352, %add3A_364 : i32
      %lt3A_366 = arith.constant 200 : i32
      %lt3A_367 = arith.cmpi slt, %add3A_365, %lt3A_366 : i32
      %convert_element_type3A_368 = arith.extui %lt3A_367 : i1 to i32
      %cond3A_369 = arith.constant 0 : i32
      %cond3A_370 = arith.cmpi ne, %convert_element_type3A_368, %cond3A_369 : i32
      scf.if %cond3A_370 {
        %add3A_481 = arith.constant 8 : i32
        %add3A_482 = arith.addi %add3A_352, %add3A_481 : i32
        %dma_start3A_483 = arith.constant 2 : i32
        %dma_start3A_484 = arith.constant 0 : i32
        %dma_start3A_485 = arith.constant 0 : i32
        %dma_start3A_486 = tpu.memref_slice %arg8[%dma_start3A_483, %dma_start3A_484, %dma_start3A_485] : memref<8x128x32xf32, #tpu.memory_space<vmem>> -> memref<1x128x32xf32, #tpu.memory_space<vmem>>
        %dma_start3A_487 = tpu.memref_squeeze %dma_start3A_486 : memref<1x128x32xf32, #tpu.memory_space<vmem>> -> memref<128x32xf32, #tpu.memory_space<vmem>>
        %dma_start3A_488 = arith.constant 0 : i32
        %dma_start3A_489 = tpu.memref_slice %arg6[%add3A_482, %dma_start3A_488] : memref<200x128xi32, #tpu.memory_space<vmem>> -> memref<1x128xi32, #tpu.memory_space<vmem>>
        %dma_start3A_490 = tpu.memref_squeeze %dma_start3A_489 : memref<1x128xi32, #tpu.memory_space<vmem>> -> memref<128xi32, #tpu.memory_space<vmem>>
        %dma_start3A_491 = arith.constant 0 : i32
        %dma_start3A_492 = arith.constant 0 : i32
        %dma_start3A_493 = tpu.memref_slice %arg4[%dma_start3A_491, %dma_start3A_492] : memref<1000000x32xf32, #tpu.memory_space<hbm>> -> memref<1000000x32xf32, #tpu.memory_space<hbm>>
        tpu.enqueue_indirect_dma source(%dma_start3A_493 : memref<1000000x32xf32, #tpu.memory_space<hbm>>) target(%dma_start3A_487 : memref<128x32xf32, #tpu.memory_space<vmem>>) offsets(%dma_start3A_490 : memref<128xi32, #tpu.memory_space<vmem>>) semaphore(%arg9 : memref<!tpu.dma_semaphore, #tpu.memory_space<semaphore_mem>>)
      } else {
      }
      %mul3A_371 = arith.constant 8 : i32
      %mul3A_372 = arith.muli %scan3A_100, %mul3A_371 : i32
      %add3A_373 = arith.constant 3 : i32
      %add3A_374 = arith.addi %mul3A_372, %add3A_373 : i32
      %dma_wait3A_375 = arith.constant 3 : i32
      %dma_wait3A_376 = arith.constant 0 : i32
      %dma_wait3A_377 = arith.constant 0 : i32
      %dma_wait3A_378 = tpu.memref_slice %arg8[%dma_wait3A_375, %dma_wait3A_376, %dma_wait3A_377] : memref<8x128x32xf32, #tpu.memory_space<vmem>> -> memref<1x128x32xf32, #tpu.memory_space<vmem>>
      %dma_wait3A_379 = tpu.memref_squeeze %dma_wait3A_378 : memref<1x128x32xf32, #tpu.memory_space<vmem>> -> memref<128x32xf32, #tpu.memory_space<vmem>>
      %dma_wait3A_380 = arith.constant 0 : i32
      %dma_wait3A_381 = tpu.memref_slice %arg7[%add3A_374, %dma_wait3A_380] : memref<200x128xi32, #tpu.memory_space<vmem>> -> memref<1x128xi32, #tpu.memory_space<vmem>>
      %dma_wait3A_382 = tpu.memref_squeeze %dma_wait3A_381 : memref<1x128xi32, #tpu.memory_space<vmem>> -> memref<128xi32, #tpu.memory_space<vmem>>
      %dma_wait3A_383 = arith.constant 0 : i32
      %dma_wait3A_384 = arith.constant 0 : i32
      %dma_wait3A_385 = tpu.memref_slice %arg5[%dma_wait3A_383, %dma_wait3A_384] : memref<819200x32xf32, #tpu.memory_space<hbm>> -> memref<819200x32xf32, #tpu.memory_space<hbm>>
      tpu.wait_indirect_dma semaphore(%arg10 : memref<!tpu.dma_semaphore, #tpu.memory_space<semaphore_mem>>) src(%dma_wait3A_379 : memref<128x32xf32, #tpu.memory_space<vmem>>) dst(%dma_wait3A_385 : memref<819200x32xf32, #tpu.memory_space<hbm>>)
      %add3A_386 = arith.constant 8 : i32
      %add3A_387 = arith.addi %add3A_374, %add3A_386 : i32
      %lt3A_388 = arith.constant 200 : i32
      %lt3A_389 = arith.cmpi slt, %add3A_387, %lt3A_388 : i32
      %convert_element_type3A_390 = arith.extui %lt3A_389 : i1 to i32
      %cond3A_391 = arith.constant 0 : i32
      %cond3A_392 = arith.cmpi ne, %convert_element_type3A_390, %cond3A_391 : i32
      scf.if %cond3A_392 {
        %add3A_481 = arith.constant 8 : i32
        %add3A_482 = arith.addi %add3A_374, %add3A_481 : i32
        %dma_start3A_483 = arith.constant 3 : i32
        %dma_start3A_484 = arith.constant 0 : i32
        %dma_start3A_485 = arith.constant 0 : i32
        %dma_start3A_486 = tpu.memref_slice %arg8[%dma_start3A_483, %dma_start3A_484, %dma_start3A_485] : memref<8x128x32xf32, #tpu.memory_space<vmem>> -> memref<1x128x32xf32, #tpu.memory_space<vmem>>
        %dma_start3A_487 = tpu.memref_squeeze %dma_start3A_486 : memref<1x128x32xf32, #tpu.memory_space<vmem>> -> memref<128x32xf32, #tpu.memory_space<vmem>>
        %dma_start3A_488 = arith.constant 0 : i32
        %dma_start3A_489 = tpu.memref_slice %arg6[%add3A_482, %dma_start3A_488] : memref<200x128xi32, #tpu.memory_space<vmem>> -> memref<1x128xi32, #tpu.memory_space<vmem>>
        %dma_start3A_490 = tpu.memref_squeeze %dma_start3A_489 : memref<1x128xi32, #tpu.memory_space<vmem>> -> memref<128xi32, #tpu.memory_space<vmem>>
        %dma_start3A_491 = arith.constant 0 : i32
        %dma_start3A_492 = arith.constant 0 : i32
        %dma_start3A_493 = tpu.memref_slice %arg4[%dma_start3A_491, %dma_start3A_492] : memref<1000000x32xf32, #tpu.memory_space<hbm>> -> memref<1000000x32xf32, #tpu.memory_space<hbm>>
        tpu.enqueue_indirect_dma source(%dma_start3A_493 : memref<1000000x32xf32, #tpu.memory_space<hbm>>) target(%dma_start3A_487 : memref<128x32xf32, #tpu.memory_space<vmem>>) offsets(%dma_start3A_490 : memref<128xi32, #tpu.memory_space<vmem>>) semaphore(%arg9 : memref<!tpu.dma_semaphore, #tpu.memory_space<semaphore_mem>>)
      } else {
      }
      %mul3A_393 = arith.constant 8 : i32
      %mul3A_394 = arith.muli %scan3A_100, %mul3A_393 : i32
      %add3A_395 = arith.constant 4 : i32
      %add3A_396 = arith.addi %mul3A_394, %add3A_395 : i32
      %dma_wait3A_397 = arith.constant 4 : i32
      %dma_wait3A_398 = arith.constant 0 : i32
      %dma_wait3A_399 = arith.constant 0 : i32
      %dma_wait3A_400 = tpu.memref_slice %arg8[%dma_wait3A_397, %dma_wait3A_398, %dma_wait3A_399] : memref<8x128x32xf32, #tpu.memory_space<vmem>> -> memref<1x128x32xf32, #tpu.memory_space<vmem>>
      %dma_wait3A_401 = tpu.memref_squeeze %dma_wait3A_400 : memref<1x128x32xf32, #tpu.memory_space<vmem>> -> memref<128x32xf32, #tpu.memory_space<vmem>>
      %dma_wait3A_402 = arith.constant 0 : i32
      %dma_wait3A_403 = tpu.memref_slice %arg7[%add3A_396, %dma_wait3A_402] : memref<200x128xi32, #tpu.memory_space<vmem>> -> memref<1x128xi32, #tpu.memory_space<vmem>>
      %dma_wait3A_404 = tpu.memref_squeeze %dma_wait3A_403 : memref<1x128xi32, #tpu.memory_space<vmem>> -> memref<128xi32, #tpu.memory_space<vmem>>
      %dma_wait3A_405 = arith.constant 0 : i32
      %dma_wait3A_406 = arith.constant 0 : i32
      %dma_wait3A_407 = tpu.memref_slice %arg5[%dma_wait3A_405, %dma_wait3A_406] : memref<819200x32xf32, #tpu.memory_space<hbm>> -> memref<819200x32xf32, #tpu.memory_space<hbm>>
      tpu.wait_indirect_dma semaphore(%arg10 : memref<!tpu.dma_semaphore, #tpu.memory_space<semaphore_mem>>) src(%dma_wait3A_401 : memref<128x32xf32, #tpu.memory_space<vmem>>) dst(%dma_wait3A_407 : memref<819200x32xf32, #tpu.memory_space<hbm>>)
      %add3A_408 = arith.constant 8 : i32
      %add3A_409 = arith.addi %add3A_396, %add3A_408 : i32
      %lt3A_410 = arith.constant 200 : i32
      %lt3A_411 = arith.cmpi slt, %add3A_409, %lt3A_410 : i32
      %convert_element_type3A_412 = arith.extui %lt3A_411 : i1 to i32
      %cond3A_413 = arith.constant 0 : i32
      %cond3A_414 = arith.cmpi ne, %convert_element_type3A_412, %cond3A_413 : i32
      scf.if %cond3A_414 {
        %add3A_481 = arith.constant 8 : i32
        %add3A_482 = arith.addi %add3A_396, %add3A_481 : i32
        %dma_start3A_483 = arith.constant 4 : i32
        %dma_start3A_484 = arith.constant 0 : i32
        %dma_start3A_485 = arith.constant 0 : i32
        %dma_start3A_486 = tpu.memref_slice %arg8[%dma_start3A_483, %dma_start3A_484, %dma_start3A_485] : memref<8x128x32xf32, #tpu.memory_space<vmem>> -> memref<1x128x32xf32, #tpu.memory_space<vmem>>
        %dma_start3A_487 = tpu.memref_squeeze %dma_start3A_486 : memref<1x128x32xf32, #tpu.memory_space<vmem>> -> memref<128x32xf32, #tpu.memory_space<vmem>>
        %dma_start3A_488 = arith.constant 0 : i32
        %dma_start3A_489 = tpu.memref_slice %arg6[%add3A_482, %dma_start3A_488] : memref<200x128xi32, #tpu.memory_space<vmem>> -> memref<1x128xi32, #tpu.memory_space<vmem>>
        %dma_start3A_490 = tpu.memref_squeeze %dma_start3A_489 : memref<1x128xi32, #tpu.memory_space<vmem>> -> memref<128xi32, #tpu.memory_space<vmem>>
        %dma_start3A_491 = arith.constant 0 : i32
        %dma_start3A_492 = arith.constant 0 : i32
        %dma_start3A_493 = tpu.memref_slice %arg4[%dma_start3A_491, %dma_start3A_492] : memref<1000000x32xf32, #tpu.memory_space<hbm>> -> memref<1000000x32xf32, #tpu.memory_space<hbm>>
        tpu.enqueue_indirect_dma source(%dma_start3A_493 : memref<1000000x32xf32, #tpu.memory_space<hbm>>) target(%dma_start3A_487 : memref<128x32xf32, #tpu.memory_space<vmem>>) offsets(%dma_start3A_490 : memref<128xi32, #tpu.memory_space<vmem>>) semaphore(%arg9 : memref<!tpu.dma_semaphore, #tpu.memory_space<semaphore_mem>>)
      } else {
      }
      %mul3A_415 = arith.constant 8 : i32
      %mul3A_416 = arith.muli %scan3A_100, %mul3A_415 : i32
      %add3A_417 = arith.constant 5 : i32
      %add3A_418 = arith.addi %mul3A_416, %add3A_417 : i32
      %dma_wait3A_419 = arith.constant 5 : i32
      %dma_wait3A_420 = arith.constant 0 : i32
      %dma_wait3A_421 = arith.constant 0 : i32
      %dma_wait3A_422 = tpu.memref_slice %arg8[%dma_wait3A_419, %dma_wait3A_420, %dma_wait3A_421] : memref<8x128x32xf32, #tpu.memory_space<vmem>> -> memref<1x128x32xf32, #tpu.memory_space<vmem>>
      %dma_wait3A_423 = tpu.memref_squeeze %dma_wait3A_422 : memref<1x128x32xf32, #tpu.memory_space<vmem>> -> memref<128x32xf32, #tpu.memory_space<vmem>>
      %dma_wait3A_424 = arith.constant 0 : i32
      %dma_wait3A_425 = tpu.memref_slice %arg7[%add3A_418, %dma_wait3A_424] : memref<200x128xi32, #tpu.memory_space<vmem>> -> memref<1x128xi32, #tpu.memory_space<vmem>>
      %dma_wait3A_426 = tpu.memref_squeeze %dma_wait3A_425 : memref<1x128xi32, #tpu.memory_space<vmem>> -> memref<128xi32, #tpu.memory_space<vmem>>
      %dma_wait3A_427 = arith.constant 0 : i32
      %dma_wait3A_428 = arith.constant 0 : i32
      %dma_wait3A_429 = tpu.memref_slice %arg5[%dma_wait3A_427, %dma_wait3A_428] : memref<819200x32xf32, #tpu.memory_space<hbm>> -> memref<819200x32xf32, #tpu.memory_space<hbm>>
      tpu.wait_indirect_dma semaphore(%arg10 : memref<!tpu.dma_semaphore, #tpu.memory_space<semaphore_mem>>) src(%dma_wait3A_423 : memref<128x32xf32, #tpu.memory_space<vmem>>) dst(%dma_wait3A_429 : memref<819200x32xf32, #tpu.memory_space<hbm>>)
      %add3A_430 = arith.constant 8 : i32
      %add3A_431 = arith.addi %add3A_418, %add3A_430 : i32
      %lt3A_432 = arith.constant 200 : i32
      %lt3A_433 = arith.cmpi slt, %add3A_431, %lt3A_432 : i32
      %convert_element_type3A_434 = arith.extui %lt3A_433 : i1 to i32
      %cond3A_435 = arith.constant 0 : i32
      %cond3A_436 = arith.cmpi ne, %convert_element_type3A_434, %cond3A_435 : i32
      scf.if %cond3A_436 {
        %add3A_481 = arith.constant 8 : i32
        %add3A_482 = arith.addi %add3A_418, %add3A_481 : i32
        %dma_start3A_483 = arith.constant 5 : i32
        %dma_start3A_484 = arith.constant 0 : i32
        %dma_start3A_485 = arith.constant 0 : i32
        %dma_start3A_486 = tpu.memref_slice %arg8[%dma_start3A_483, %dma_start3A_484, %dma_start3A_485] : memref<8x128x32xf32, #tpu.memory_space<vmem>> -> memref<1x128x32xf32, #tpu.memory_space<vmem>>
        %dma_start3A_487 = tpu.memref_squeeze %dma_start3A_486 : memref<1x128x32xf32, #tpu.memory_space<vmem>> -> memref<128x32xf32, #tpu.memory_space<vmem>>
        %dma_start3A_488 = arith.constant 0 : i32
        %dma_start3A_489 = tpu.memref_slice %arg6[%add3A_482, %dma_start3A_488] : memref<200x128xi32, #tpu.memory_space<vmem>> -> memref<1x128xi32, #tpu.memory_space<vmem>>
        %dma_start3A_490 = tpu.memref_squeeze %dma_start3A_489 : memref<1x128xi32, #tpu.memory_space<vmem>> -> memref<128xi32, #tpu.memory_space<vmem>>
        %dma_start3A_491 = arith.constant 0 : i32
        %dma_start3A_492 = arith.constant 0 : i32
        %dma_start3A_493 = tpu.memref_slice %arg4[%dma_start3A_491, %dma_start3A_492] : memref<1000000x32xf32, #tpu.memory_space<hbm>> -> memref<1000000x32xf32, #tpu.memory_space<hbm>>
        tpu.enqueue_indirect_dma source(%dma_start3A_493 : memref<1000000x32xf32, #tpu.memory_space<hbm>>) target(%dma_start3A_487 : memref<128x32xf32, #tpu.memory_space<vmem>>) offsets(%dma_start3A_490 : memref<128xi32, #tpu.memory_space<vmem>>) semaphore(%arg9 : memref<!tpu.dma_semaphore, #tpu.memory_space<semaphore_mem>>)
      } else {
      }
      %mul3A_437 = arith.constant 8 : i32
      %mul3A_438 = arith.muli %scan3A_100, %mul3A_437 : i32
      %add3A_439 = arith.constant 6 : i32
      %add3A_440 = arith.addi %mul3A_438, %add3A_439 : i32
      %dma_wait3A_441 = arith.constant 6 : i32
      %dma_wait3A_442 = arith.constant 0 : i32
      %dma_wait3A_443 = arith.constant 0 : i32
      %dma_wait3A_444 = tpu.memref_slice %arg8[%dma_wait3A_441, %dma_wait3A_442, %dma_wait3A_443] : memref<8x128x32xf32, #tpu.memory_space<vmem>> -> memref<1x128x32xf32, #tpu.memory_space<vmem>>
      %dma_wait3A_445 = tpu.memref_squeeze %dma_wait3A_444 : memref<1x128x32xf32, #tpu.memory_space<vmem>> -> memref<128x32xf32, #tpu.memory_space<vmem>>
      %dma_wait3A_446 = arith.constant 0 : i32
      %dma_wait3A_447 = tpu.memref_slice %arg7[%add3A_440, %dma_wait3A_446] : memref<200x128xi32, #tpu.memory_space<vmem>> -> memref<1x128xi32, #tpu.memory_space<vmem>>
      %dma_wait3A_448 = tpu.memref_squeeze %dma_wait3A_447 : memref<1x128xi32, #tpu.memory_space<vmem>> -> memref<128xi32, #tpu.memory_space<vmem>>
      %dma_wait3A_449 = arith.constant 0 : i32
      %dma_wait3A_450 = arith.constant 0 : i32
      %dma_wait3A_451 = tpu.memref_slice %arg5[%dma_wait3A_449, %dma_wait3A_450] : memref<819200x32xf32, #tpu.memory_space<hbm>> -> memref<819200x32xf32, #tpu.memory_space<hbm>>
      tpu.wait_indirect_dma semaphore(%arg10 : memref<!tpu.dma_semaphore, #tpu.memory_space<semaphore_mem>>) src(%dma_wait3A_445 : memref<128x32xf32, #tpu.memory_space<vmem>>) dst(%dma_wait3A_451 : memref<819200x32xf32, #tpu.memory_space<hbm>>)
      %add3A_452 = arith.constant 8 : i32
      %add3A_453 = arith.addi %add3A_440, %add3A_452 : i32
      %lt3A_454 = arith.constant 200 : i32
      %lt3A_455 = arith.cmpi slt, %add3A_453, %lt3A_454 : i32
      %convert_element_type3A_456 = arith.extui %lt3A_455 : i1 to i32
      %cond3A_457 = arith.constant 0 : i32
      %cond3A_458 = arith.cmpi ne, %convert_element_type3A_456, %cond3A_457 : i32
      scf.if %cond3A_458 {
        %add3A_481 = arith.constant 8 : i32
        %add3A_482 = arith.addi %add3A_440, %add3A_481 : i32
        %dma_start3A_483 = arith.constant 6 : i32
        %dma_start3A_484 = arith.constant 0 : i32
        %dma_start3A_485 = arith.constant 0 : i32
        %dma_start3A_486 = tpu.memref_slice %arg8[%dma_start3A_483, %dma_start3A_484, %dma_start3A_485] : memref<8x128x32xf32, #tpu.memory_space<vmem>> -> memref<1x128x32xf32, #tpu.memory_space<vmem>>
        %dma_start3A_487 = tpu.memref_squeeze %dma_start3A_486 : memref<1x128x32xf32, #tpu.memory_space<vmem>> -> memref<128x32xf32, #tpu.memory_space<vmem>>
        %dma_start3A_488 = arith.constant 0 : i32
        %dma_start3A_489 = tpu.memref_slice %arg6[%add3A_482, %dma_start3A_488] : memref<200x128xi32, #tpu.memory_space<vmem>> -> memref<1x128xi32, #tpu.memory_space<vmem>>
        %dma_start3A_490 = tpu.memref_squeeze %dma_start3A_489 : memref<1x128xi32, #tpu.memory_space<vmem>> -> memref<128xi32, #tpu.memory_space<vmem>>
        %dma_start3A_491 = arith.constant 0 : i32
        %dma_start3A_492 = arith.constant 0 : i32
        %dma_start3A_493 = tpu.memref_slice %arg4[%dma_start3A_491, %dma_start3A_492] : memref<1000000x32xf32, #tpu.memory_space<hbm>> -> memref<1000000x32xf32, #tpu.memory_space<hbm>>
        tpu.enqueue_indirect_dma source(%dma_start3A_493 : memref<1000000x32xf32, #tpu.memory_space<hbm>>) target(%dma_start3A_487 : memref<128x32xf32, #tpu.memory_space<vmem>>) offsets(%dma_start3A_490 : memref<128xi32, #tpu.memory_space<vmem>>) semaphore(%arg9 : memref<!tpu.dma_semaphore, #tpu.memory_space<semaphore_mem>>)
      } else {
      }
      %mul3A_459 = arith.constant 8 : i32
      %mul3A_460 = arith.muli %scan3A_100, %mul3A_459 : i32
      %add3A_461 = arith.constant 7 : i32
      %add3A_462 = arith.addi %mul3A_460, %add3A_461 : i32
      %dma_wait3A_463 = arith.constant 7 : i32
      %dma_wait3A_464 = arith.constant 0 : i32
      %dma_wait3A_465 = arith.constant 0 : i32
      %dma_wait3A_466 = tpu.memref_slice %arg8[%dma_wait3A_463, %dma_wait3A_464, %dma_wait3A_465] : memref<8x128x32xf32, #tpu.memory_space<vmem>> -> memref<1x128x32xf32, #tpu.memory_space<vmem>>
      %dma_wait3A_467 = tpu.memref_squeeze %dma_wait3A_466 : memref<1x128x32xf32, #tpu.memory_space<vmem>> -> memref<128x32xf32, #tpu.memory_space<vmem>>
      %dma_wait3A_468 = arith.constant 0 : i32
      %dma_wait3A_469 = tpu.memref_slice %arg7[%add3A_462, %dma_wait3A_468] : memref<200x128xi32, #tpu.memory_space<vmem>> -> memref<1x128xi32, #tpu.memory_space<vmem>>
      %dma_wait3A_470 = tpu.memref_squeeze %dma_wait3A_469 : memref<1x128xi32, #tpu.memory_space<vmem>> -> memref<128xi32, #tpu.memory_space<vmem>>
      %dma_wait3A_471 = arith.constant 0 : i32
      %dma_wait3A_472 = arith.constant 0 : i32
      %dma_wait3A_473 = tpu.memref_slice %arg5[%dma_wait3A_471, %dma_wait3A_472] : memref<819200x32xf32, #tpu.memory_space<hbm>> -> memref<819200x32xf32, #tpu.memory_space<hbm>>
      tpu.wait_indirect_dma semaphore(%arg10 : memref<!tpu.dma_semaphore, #tpu.memory_space<semaphore_mem>>) src(%dma_wait3A_467 : memref<128x32xf32, #tpu.memory_space<vmem>>) dst(%dma_wait3A_473 : memref<819200x32xf32, #tpu.memory_space<hbm>>)
      %add3A_474 = arith.constant 8 : i32
      %add3A_475 = arith.addi %add3A_462, %add3A_474 : i32
      %lt3A_476 = arith.constant 200 : i32
      %lt3A_477 = arith.cmpi slt, %add3A_475, %lt3A_476 : i32
      %convert_element_type3A_478 = arith.extui %lt3A_477 : i1 to i32
      %cond3A_479 = arith.constant 0 : i32
      %cond3A_480 = arith.cmpi ne, %convert_element_type3A_478, %cond3A_479 : i32
      scf.if %cond3A_480 {
        %add3A_481 = arith.constant 8 : i32
        %add3A_482 = arith.addi %add3A_462, %add3A_481 : i32
        %dma_start3A_483 = arith.constant 7 : i32
        %dma_start3A_484 = arith.constant 0 : i32
        %dma_start3A_485 = arith.constant 0 : i32
        %dma_start3A_486 = tpu.memref_slice %arg8[%dma_start3A_483, %dma_start3A_484, %dma_start3A_485] : memref<8x128x32xf32, #tpu.memory_space<vmem>> -> memref<1x128x32xf32, #tpu.memory_space<vmem>>
        %dma_start3A_487 = tpu.memref_squeeze %dma_start3A_486 : memref<1x128x32xf32, #tpu.memory_space<vmem>> -> memref<128x32xf32, #tpu.memory_space<vmem>>
        %dma_start3A_488 = arith.constant 0 : i32
        %dma_start3A_489 = tpu.memref_slice %arg6[%add3A_482, %dma_start3A_488] : memref<200x128xi32, #tpu.memory_space<vmem>> -> memref<1x128xi32, #tpu.memory_space<vmem>>
        %dma_start3A_490 = tpu.memref_squeeze %dma_start3A_489 : memref<1x128xi32, #tpu.memory_space<vmem>> -> memref<128xi32, #tpu.memory_space<vmem>>
        %dma_start3A_491 = arith.constant 0 : i32
        %dma_start3A_492 = arith.constant 0 : i32
        %dma_start3A_493 = tpu.memref_slice %arg4[%dma_start3A_491, %dma_start3A_492] : memref<1000000x32xf32, #tpu.memory_space<hbm>> -> memref<1000000x32xf32, #tpu.memory_space<hbm>>
        tpu.enqueue_indirect_dma source(%dma_start3A_493 : memref<1000000x32xf32, #tpu.memory_space<hbm>>) target(%dma_start3A_487 : memref<128x32xf32, #tpu.memory_space<vmem>>) offsets(%dma_start3A_490 : memref<128xi32, #tpu.memory_space<vmem>>) semaphore(%arg9 : memref<!tpu.dma_semaphore, #tpu.memory_space<semaphore_mem>>)
      } else {
      }
    }
    %scan3A_99 = arith.constant 25 : i32
    return
  }
}

module attributes {stable_mosaic.version = 14 : i64} {
  func.func @_mlp_body(%arg0: i32, %arg1: memref<1x4096x128xf32, #tpu.memory_space<vmem>>, %arg2: memref<500x128xf32, #tpu.memory_space<vmem>>, %arg3: memref<1x500xf32, #tpu.memory_space<vmem>>, %arg4: memref<100x500xf32, #tpu.memory_space<vmem>>, %arg5: memref<1x100xf32, #tpu.memory_space<vmem>>, %arg6: memref<100x1xf32, #tpu.memory_space<vmem>>, %arg7: memref<1x1xf32, #tpu.memory_space<vmem>>, %arg8: memref<4096x1xf32, #tpu.memory_space<vmem>>, %arg9: memref<4096x500xf32, #tpu.memory_space<vmem>>) attributes {dimension_semantics = [#tpu.dimension_semantics<arbitrary>], iteration_bounds = array<i64: 50>, scalar_prefetch = 0 : i64, scratch_operands = 1 : i64, tpu.core_type = #tpu.core_type<tc>, window_params = [{transform_indices = @transform_0, window_bounds = array<i64: 1, 4096, 128>}, {transform_indices = @transform_1, window_bounds = array<i64: 500, 128>}, {pipeline_mode = #tpu.pipeline_mode<synchronous>, transform_indices = @transform_2, window_bounds = array<i64: 1, 500>}, {pipeline_mode = #tpu.pipeline_mode<synchronous>, transform_indices = @transform_3, window_bounds = array<i64: 100, 500>}, {pipeline_mode = #tpu.pipeline_mode<synchronous>, transform_indices = @transform_4, window_bounds = array<i64: 1, 100>}, {pipeline_mode = #tpu.pipeline_mode<synchronous>, transform_indices = @transform_5, window_bounds = array<i64: 100, 1>}, {pipeline_mode = #tpu.pipeline_mode<synchronous>, transform_indices = @transform_6, window_bounds = array<i64: 1, 1>}, {pipeline_mode = #tpu.pipeline_mode<synchronous>, transform_indices = @transform_7, window_bounds = array<i64: 4096, 1>}]} {
    %eq3A = arith.constant 0 : i32
    %eq3A_0 = arith.cmpi eq, %arg0, %eq3A : i32
    %convert_element_type3A = arith.extui %eq3A_0 : i1 to i32
    %cond3A = arith.constant 0 : i32
    %cond3A_1 = arith.cmpi ne, %convert_element_type3A, %cond3A : i32
    scf.if %cond3A_1 {
      %broadcast_in_dim3A = arith.constant 0.000000e+00 : f32
      %broadcast_in_dim3A_20 = vector.broadcast %broadcast_in_dim3A : f32 to vector<4096x500xf32>
      %swap3A_21 = arith.constant 0 : index
      %swap3A_22 = arith.constant 0 : index
      %swap3A_23 = vector.load %arg9[%swap3A_21, %swap3A_22] : memref<4096x500xf32, #tpu.memory_space<vmem>>, vector<4096x500xf32>
      tpu.vector_store %arg9[%swap3A_21, %swap3A_22], %broadcast_in_dim3A_20 {strides = array<i32>} : memref<4096x500xf32, #tpu.memory_space<vmem>>, vector<4096x500xf32>,
    } else {
    }
    %get3A = arith.constant 0 : index
    %get3A_2 = arith.constant 0 : index
    %get3A_3 = vector.load %arg9[%get3A, %get3A_2] : memref<4096x500xf32, #tpu.memory_space<vmem>>, vector<4096x500xf32>
    %get3A_4 = arith.constant 0 : index
    %get3A_5 = arith.constant 0 : index
    %get3A_6 = arith.constant 0 : index
    %get3A_7 = vector.load %arg1[%get3A_4, %get3A_5, %get3A_6] : memref<1x4096x128xf32, #tpu.memory_space<vmem>>, vector<1x4096x128xf32>
    %get3A_8 = vector.shape_cast %get3A_7 : vector<1x4096x128xf32> to vector<4096x128xf32>
    %get3A_9 = arith.constant 0 : index
    %get3A_10 = arith.constant 0 : index
    %get3A_11 = vector.load %arg2[%get3A_9, %get3A_10] : memref<500x128xf32, #tpu.memory_space<vmem>>, vector<500x128xf32>
    %dot_general3A = arith.constant dense<0.000000e+00> : vector<4096x500xf32>
    %dot_general3A_12 = tpu.matmul %get3A_8, %get3A_11, %dot_general3A {dimension_numbers = #tpu.dot_dimension_numbers<[1], [1], [0], [0], [0, 0, 1, 0], [], []>, transpose_lhs_hint = false} : vector<4096x128xf32>, vector<500x128xf32>, vector<4096x500xf32> -> vector<4096x500xf32>
    %add3A = arith.addf %get3A_3, %dot_general3A_12 : vector<4096x500xf32>
    %swap3A = arith.constant 0 : index
    %swap3A_13 = arith.constant 0 : index
    %swap3A_14 = vector.load %arg9[%swap3A, %swap3A_13] : memref<4096x500xf32, #tpu.memory_space<vmem>>, vector<4096x500xf32>
    tpu.vector_store %arg9[%swap3A, %swap3A_13], %add3A {strides = array<i32>} : memref<4096x500xf32, #tpu.memory_space<vmem>>, vector<4096x500xf32>,
    %eq3A_15 = arith.constant 49 : i32
    %eq3A_16 = arith.cmpi eq, %arg0, %eq3A_15 : i32
    %convert_element_type3A_17 = arith.extui %eq3A_16 : i1 to i32
    %cond3A_18 = arith.constant 0 : i32
    %cond3A_19 = arith.cmpi ne, %convert_element_type3A_17, %cond3A_18 : i32
    scf.if %cond3A_19 {
      %get3A_20 = arith.constant 0 : index
      %get3A_21 = arith.constant 0 : index
      %get3A_22 = vector.load %arg9[%get3A_20, %get3A_21] : memref<4096x500xf32, #tpu.memory_space<vmem>>, vector<4096x500xf32>
      %get3A_23 = arith.constant 0 : index
      %get3A_24 = arith.constant 0 : index
      %get3A_25 = vector.load %arg3[%get3A_23, %get3A_24] : memref<1x500xf32, #tpu.memory_space<vmem>>, vector<1x500xf32>
      %add3A_26 = vector.broadcast %get3A_25 : vector<1x500xf32> to vector<4096x500xf32>
      %add3A_27 = arith.addf %get3A_22, %add3A_26 : vector<4096x500xf32>
      %max3A = arith.constant 0.000000e+00 : f32
      %max3A_28 = vector.broadcast %max3A : f32 to vector<4096x500xf32>
      %max3A_29 = arith.maximumf %add3A_27, %max3A_28 : vector<4096x500xf32>
      %get3A_30 = arith.constant 0 : index
      %get3A_31 = arith.constant 0 : index
      %get3A_32 = vector.load %arg4[%get3A_30, %get3A_31] : memref<100x500xf32, #tpu.memory_space<vmem>>, vector<100x500xf32>
      %dot_general3A_33 = arith.constant dense<0.000000e+00> : vector<4096x100xf32>
      %dot_general3A_34 = tpu.matmul %max3A_29, %get3A_32, %dot_general3A_33 {dimension_numbers = #tpu.dot_dimension_numbers<[1], [1], [0], [0], [0, 0, 1, 0], [], []>, transpose_lhs_hint = false} : vector<4096x500xf32>, vector<100x500xf32>, vector<4096x100xf32> -> vector<4096x100xf32>
      %get3A_35 = arith.constant 0 : index
      %get3A_36 = arith.constant 0 : index
      %get3A_37 = vector.load %arg5[%get3A_35, %get3A_36] : memref<1x100xf32, #tpu.memory_space<vmem>>, vector<1x100xf32>
      %add3A_38 = vector.broadcast %get3A_37 : vector<1x100xf32> to vector<4096x100xf32>
      %add3A_39 = arith.addf %dot_general3A_34, %add3A_38 : vector<4096x100xf32>
      %max3A_40 = arith.constant 0.000000e+00 : f32
      %max3A_41 = vector.broadcast %max3A_40 : f32 to vector<4096x100xf32>
      %max3A_42 = arith.maximumf %add3A_39, %max3A_41 : vector<4096x100xf32>
      %get3A_43 = arith.constant 0 : index
      %get3A_44 = arith.constant 0 : index
      %get3A_45 = vector.load %arg6[%get3A_43, %get3A_44] : memref<100x1xf32, #tpu.memory_space<vmem>>, vector<100x1xf32>
      %dot_general3A_46 = arith.constant dense<0.000000e+00> : vector<4096x1xf32>
      %dot_general3A_47 = tpu.matmul %max3A_42, %get3A_45, %dot_general3A_46 {dimension_numbers = #tpu.dot_dimension_numbers<[1], [0], [0], [1], [0, 0, 1, 1], [], []>, transpose_lhs_hint = false} : vector<4096x100xf32>, vector<100x1xf32>, vector<4096x1xf32> -> vector<4096x1xf32>
      %get3A_48 = arith.constant 0 : index
      %get3A_49 = arith.constant 0 : index
      %get3A_50 = vector.load %arg7[%get3A_48, %get3A_49] : memref<1x1xf32, #tpu.memory_space<vmem>>, vector<1x1xf32>
      %add3A_51 = vector.broadcast %get3A_50 : vector<1x1xf32> to vector<4096x1xf32>
      %add3A_52 = arith.addf %dot_general3A_47, %add3A_51 : vector<4096x1xf32>
      %logistic3A = arith.negf %add3A_52 : vector<4096x1xf32>
      %logistic3A_53 = math.exp %logistic3A : vector<4096x1xf32>
      %logistic3A_54 = arith.constant 1.000000e+00 : f32
      %logistic3A_55 = vector.broadcast %logistic3A_54 : f32 to vector<4096x1xf32>
      %logistic3A_56 = arith.addf %logistic3A_55, %logistic3A_53 : vector<4096x1xf32>
      %logistic3A_57 = arith.divf %logistic3A_55, %logistic3A_56 : vector<4096x1xf32>
      %swap3A_58 = arith.constant 0 : index
      %swap3A_59 = arith.constant 0 : index
      %swap3A_60 = vector.load %arg8[%swap3A_58, %swap3A_59] : memref<4096x1xf32, #tpu.memory_space<vmem>>, vector<4096x1xf32>
      tpu.vector_store %arg8[%swap3A_58, %swap3A_59], %logistic3A_57 {strides = array<i32>} : memref<4096x1xf32, #tpu.memory_space<vmem>>, vector<4096x1xf32>,
    } else {
    }
    return
  }
  func.func @transform_0(%arg0: i32) -> (i32, i32, i32) {
    %c0_i32 = arith.constant 0 : i32
    %c0_i32_0 = arith.constant 0 : i32
    %c0_i32_1 = arith.constant 0 : i32
    return %arg0, %c0_i32, %c0_i32_0 : i32, i32, i32
  }
  func.func @transform_1(%arg0: i32) -> (i32, i32) {
    %c0_i32 = arith.constant 0 : i32
    %c0_i32_0 = arith.constant 0 : i32
    return %c0_i32, %arg0 : i32, i32
  }
  func.func @transform_2(%arg0: i32) -> (i32, i32) {
    %c0_i32 = arith.constant 0 : i32
    %c0_i32_0 = arith.constant 0 : i32
    %c0_i32_1 = arith.constant 0 : i32
    return %c0_i32, %c0_i32_0 : i32, i32
  }
  func.func @transform_3(%arg0: i32) -> (i32, i32) {
    %c0_i32 = arith.constant 0 : i32
    %c0_i32_0 = arith.constant 0 : i32
    %c0_i32_1 = arith.constant 0 : i32
    return %c0_i32, %c0_i32_0 : i32, i32
  }
  func.func @transform_4(%arg0: i32) -> (i32, i32) {
    %c0_i32 = arith.constant 0 : i32
    %c0_i32_0 = arith.constant 0 : i32
    %c0_i32_1 = arith.constant 0 : i32
    return %c0_i32, %c0_i32_0 : i32, i32
  }
  func.func @transform_5(%arg0: i32) -> (i32, i32) {
    %c0_i32 = arith.constant 0 : i32
    %c0_i32_0 = arith.constant 0 : i32
    %c0_i32_1 = arith.constant 0 : i32
    return %c0_i32, %c0_i32_0 : i32, i32
  }
  func.func @transform_6(%arg0: i32) -> (i32, i32) {
    %c0_i32 = arith.constant 0 : i32
    %c0_i32_0 = arith.constant 0 : i32
    %c0_i32_1 = arith.constant 0 : i32
    return %c0_i32, %c0_i32_0 : i32, i32
  }
  func.func @transform_7(%arg0: i32) -> (i32, i32) {
    %c0_i32 = arith.constant 0 : i32
    %c0_i32_0 = arith.constant 0 : i32
    %c0_i32_1 = arith.constant 0 : i32
    return %c0_i32, %c0_i32_0 : i32, i32
  }
}

</mosaic_0001>

<sc_bundles>
// kernel: kernel.4.cloned.1.call-start
scs
__scs_entry_jumppad:
0x0: {  	(pc) =	sbr.rel $0x88, $3  }
0x1: {  	(tag) =	ssettag $0x0;
	lr =	simm.s32 $0x1  }
0x2: {  	[smem:$0x3F99] =	sst lr;
	_ =	strace $0xD0000000  }
0x3: {  	_ = 	snop  }
0x4: {  	_ = 	snop  }
0x5: {  	_ = 	snop  }
0x6: {  	_ = 	snop  }
0x7: {  	_ = 	snop  }
__scs_overlays_trampoline_lowered:
0x8: {  	[smem:$0x3FA8] =	sst s0  }
0x9: {  	[smem:$0x3FA9] =	sst s1  }
0xa: {  	[smem:$0x3FAA] =	sst s2  }
0xb: {  	[smem:$0x3FAB] =	sst s3  }
0xc: {  	[smem:$0x3FAC] =	sst s4  }
0xd: {  	[smem:$0x3FAD] =	sst s5  }
0xe: {  	[smem:$0x3FAE] =	sst s6  }
0xf: {  	[smem:$0x3FAF] =	sst s7  }
0x10: {  	[smem:$0x3FB0] =	sst s8  }
0x11: {  	[smem:$0x3FB1] =	sst s9;
	s0 =	simm.s32 @!p0 $0x0  }
0x12: {  	s1 =	sld [smem:$0x3F97];
	s0 =	simm.s32 @p0 $0x1  }
0x13: {  	[smem:$0x3FB2] =	sst s0;
	s0 =	simm.s32 @!p1 $0x0  }
0x14: {  	s2 =	sld [smem:$0x3F96];
	s0 =	simm.s32 @p1 $0x1  }
0x15: {  	[smem:$0x3FB3] =	sst s0;
	s0 =	simm.s32 @!p2 $0x0  }
0x16: {  	s3 =	sld [smem:$0x3FDB];
	s0 =	simm.s32 @p2 $0x1  }
0x17: {  	s4 =	simm.s32 $0x1BF5;
	[smem:$0x3FB5] =	sst s0  }
0x18: {  	s0 =	sld [smem:$0x3F98];
	_ =	swait.ge [sflag:s4], $0x0  }
0x19: {  	s7 =	sld [smem:$0x3F99]  }
0x1a: {  	s8 =	sadd.s32 $0xFFFFE003, lr  }
0x1b: {  	s9 =	sadd.s32 $0xFFFFFEF7, lr;
	s5 =	simm.s32 $0xFFFFFFFF;
	p2 =	slt.u32 s8, $0xFFFFF086  }
0x1c: {  	p1 =	slt.u32 s9, $0xF7A;
	s5 =	simm.s32 @!p2 $0x0  }
0x1d: {  	s5 =	simm.s32 @p1 $0x1;
	p0 =	seq.s32 s7, s2  }
0x1e: {  	s7 =	smul.u32 @!p0 $0xF7A, s2;
	p2 =	seq.s32 @!p0 s5, $0x0  }
0x1f: {  	s9 =	smul.u32 $0xF7A, s1;
	s8 =	simm.s32 @!p0 $0x1BF5;
	p2 =	por !p2, p0  }
0x20: {  	[sflag:s8] =	ssyncset.s32 @!p0 $0xFFFFF086;
	s6 =	sadd.s32 @!p0 s3, s7;
	s7 =	simm.s32 @!p0 $0x108  }
0x21: {  	s3 =	sadd.s32 s3, s9;
	s6 =	sadd.s32 @!p0 $0x88, s6;
	s7 =	simm.s32 @p2 $0x1082  }
0x22: {  	[simem:s7], [sflag:s8] =	dma.local @!p0 [hbm:s6], $0xF7A  }
0x23: {  	s9 =	sor.u32 $0xD0000000, s2;
	s6 =	simm.s32 $0x108;
	_ =	swait.ge @!p0 [sflag:s8], $0x0  }
0x24: {  	s3 =	sadd.s32 $0x88, s3;
	s6 =	simm.s32 @!p1 $0x1082;
	[sflag:s4] =	ssyncset.s32 $0xFFFFF086  }
0x25: {  	[simem:s6], [sflag:s4] =	dma.local [hbm:s3], $0xF7A  }
0x26: {  	[smem:$0x3F99] =	sst s1;
	(tag) =	ssettag s2;
	_ =	strace s9  }
0x27: {  	s1 =	sld [smem:$0x3FA9]  }
0x28: {  	s2 =	sld [smem:$0x3FAA]  }
0x29: {  	s4 =	sld [smem:$0x3FAC]  }
0x2a: {  	p0 =	seq.s32 s5, $0x0;
	s5 =	sld [smem:$0x3FAD]  }
0x2b: {  	s6 =	sld [smem:$0x3FAE]  }
0x2c: {  	s7 =	sld [smem:$0x3FAF]  }
0x2d: {  	s3 =	simm.s32 $0x108;
	s8 =	sld [smem:$0x3FB0]  }
0x2e: {  	s3 =	simm.s32 @!p0 $0x1082;
	s9 =	sld [smem:$0x3FB1]  }
0x2f: {  	lr =	sadd.s32 s0, s3;
	s0 =	sld [smem:$0x3FA8]  }
0x30: {  	s3 =	sld [smem:$0x3FAB]  }
0x31: {  	[smem:$0x3FB4] =	sst s10  }
0x32: {  	s10 =	sld [smem:$0x3FB2];
	_ =	sdelay $0x3  }
0x33: {  	p0 =	seq.s32 s10, $0x1;
	s10 =	sld [smem:$0x3FB4];
	_ =	sdelay $0x3  }
0x34: {  	[smem:$0x3FB4] =	sst s10  }
0x35: {  	s10 =	sld [smem:$0x3FB3];
	_ =	sdelay $0x3  }
0x36: {  	p1 =	seq.s32 s10, $0x1;
	s10 =	sld [smem:$0x3FB4];
	_ =	sdelay $0x3  }
0x37: {  	[smem:$0x3FB4] =	sst s10  }
0x38: {  	s10 =	sld [smem:$0x3FB5]  }
0x39: {  	_ = 	snop;
	(pc) =	sbr.ind lr, $3  }
0x3a: {  	_ = 	snop  }
0x3b: {  	_ = 	snop  }
0x3c: {  	p2 =	seq.s32 s10, $0x1;
	s10 =	sld [smem:$0x3FB4]  }
0x3d: {  	_ =	shalt  }
0x3e: {  	_ =	shalt  }
0x3f: {  	_ =	shalt  }
0x40: {  	_ =	shalt  }
0x41: {  	_ =	shalt  }
0x42: {  	_ =	shalt  }
0x43: {  	_ =	shalt  }
0x44: {  	_ =	shalt  }
0x45: {  	_ =	shalt  }
0x46: {  	_ =	shalt  }
0x47: {  	_ =	shalt  }
0x48: {  	_ =	shalt  }
0x49: {  	_ =	shalt  }
0x4a: {  	_ =	shalt  }
0x4b: {  	_ =	shalt  }
0x4c: {  	_ =	shalt  }
0x4d: {  	_ =	shalt  }
0x4e: {  	_ =	shalt  }
0x4f: {  	_ =	shalt  }
0x50: {  	_ =	shalt  }
0x51: {  	_ =	shalt  }
0x52: {  	_ =	shalt  }
0x53: {  	_ =	shalt  }
0x54: {  	_ =	shalt  }
0x55: {  	_ =	shalt  }
0x56: {  	_ =	shalt  }
0x57: {  	_ =	shalt  }
0x58: {  	_ =	shalt  }
0x59: {  	_ =	shalt  }
0x5a: {  	_ =	shalt  }
0x5b: {  	_ =	shalt  }
0x5c: {  	_ =	shalt  }
0x5d: {  	_ =	shalt  }
0x5e: {  	_ =	shalt  }
0x5f: {  	_ =	shalt  }
0x60: {  	_ =	shalt  }
0x61: {  	_ =	shalt  }
0x62: {  	_ =	shalt  }
0x63: {  	_ =	shalt  }
0x64: {  	_ =	shalt  }
0x65: {  	_ =	shalt  }
0x66: {  	_ =	shalt  }
0x67: {  	_ =	shalt  }
0x68: {  	_ =	shalt  }
0x69: {  	_ =	shalt  }
0x6a: {  	_ =	shalt  }
0x6b: {  	_ =	shalt  }
0x6c: {  	_ =	shalt  }
0x6d: {  	_ =	shalt  }
0x6e: {  	_ =	shalt  }
0x6f: {  	_ =	shalt  }
0x70: {  	_ =	shalt  }
0x71: {  	_ =	shalt  }
0x72: {  	_ =	shalt  }
0x73: {  	_ =	shalt  }
0x74: {  	_ =	shalt  }
0x75: {  	_ =	shalt  }
0x76: {  	_ =	shalt  }
0x77: {  	_ =	shalt  }
0x78: {  	_ =	shalt  }
0x79: {  	_ =	shalt  }
0x7a: {  	_ =	shalt  }
0x7b: {  	_ =	shalt  }
0x7c: {  	_ =	shalt  }
0x7d: {  	_ =	shalt  }
0x7e: {  	_ =	shalt  }
0x7f: {  	_ =	shalt  }
0x80: {  	_ =	shalt  }
0x81: {  	_ =	shalt  }
0x82: {  	_ =	shalt  }
0x83: {  	_ =	shalt  }
0x84: {  	_ =	shalt  }
0x85: {  	_ =	shalt  }
0x86: {  	_ =	shalt  }
0x87: {  	_ =	shalt  }
.Lfunc_end0:
.L_simem_size_0:
called_computation_lowered:
.L_overlay_start_0:
0x88: {  	s2 =	sld [smem:$0x3FD9]  }
0x89: {  	s3 =	sld [smem:$0x3FFE];
	_ =	sdelay $0x1  }
0x8a: {  	s1 =	srdreg.scid  }
0x8b: {  	s0 =	sand.u32 $0x1, s1  }
0x8c: {  	s16 =	sshll.u32 s0, $0xA;
	s2 =	sadd.s32 s3, s2  }
0x8d: {  	s2 =	sadd.s32 s2, s16  }
0x8e: {  	[smem:$0x3FC0] =	sst s2  }
0x8f: {  	_ = 	snop  }
0x90: {  	(tm) =	ssettm $0x1  }
0x91: {  	s17 =	sld [smem:$0x3FFB];
	_ =	sdelay $0x3  }
0x92: {  	_ =	strace s17  }
0x93: {  	s2 =	sld [smem:$0x3FFC];
	_ =	sdelay $0x3  }
0x94: {  	_ =	strace s2  }
0x95: {  	s2 =	sld [smem:$0x3FFD];
	_ =	sdelay $0x3  }
0x96: {  	_ =	strace s2  }
0x97: {  	_ =	strace $0x8FFFFFFF  }
0x98: {  	s18 =	sld [smem:$0x3FDB];
	_ =	sdelay $0x1  }
0x99: {  	s19 =	simm.s32 $_scs_section_size  }
0x9a: {  	s4 =	simm.s32 $_size__tile_overlayer_lowered;
	s5 =	simm.s32 $_tile_overlayer_lowered  }
0x9b: {  	s22 =	simm.s32 $0x1BFF;
	s21 =	sshll.u32 s5, $0x1;
	s2 =	sadd.s32 s19, s18  }
0x9c: {  	s6 =	simm.s32 $0x0;
	s20 =	sshll.u32 s4, $0x1;
	s4 =	sadd.s32 s21, s2  }
0x9d: {  	[timem:s6], [sflag:s22] =	dma.local [hbm:s4], s20  }
0x9e: {  	_ =	swait.ge [sflag:s22], s20  }
0x9f: {  	s3 =	ssub.s32 $0x0, s20;
	[sflag:s22] =	ssyncset.done $0x0  }
0xa0: {  	[sflag:s22] =	ssyncadd.s32 s3;
	_ =	sdelay $0x1  }
0xa1: {  	s23 =	simm.s32 $0x1B8B  }
0xa2: {  	_ =	swait.ge [sflag:s23], $0x1  }
0xa3: {  	[sflag:s23] =	ssyncset.done $0x0  }
0xa4: {  	s25 =	simm.s32 $0x1B8E;
	s24 =	sld [smem:$0x3FFE];
	[sflag:s23] =	ssyncadd.s32 $0xFFFFFFFF  }
0xa5: {  	s26 =	simm.s32 $execute0_lowered;
	[smem:$0x3FD2] =	sst s25  }
0xa6: {  	s4 =	sshll.u32 s26, $0x1;
	_ =	strace $0x80000046;
	[dreg:$0x1] =	wrdreg $0xFFFFFFFF  }
0xa7: {  	s28 =	simm.s32 $_size_execute0_lowered;
	s2 =	sadd.s32 s2, s4;
	[dreg:$0x0] =	wrdreg $0x0  }
0xa8: {  	s4 =	sshll.u32 s28, $0x1;
	[dreg:$0x2] =	wrdreg s2  }
0xa9: {  	[dreg:$0x3] =	wrdreg s4  }
0xaa: {  	[dreg:$0x4] =	wrdreg $0xC0  }
0xab: {  	_ =	task [dreg:s6], $0x5FFFF  }
0xac: {  	[dreg:$0x1] =	wrdreg $0xFFFFFFFF  }
0xad: {  	[dreg:$0x0] =	wrdreg $0x60  }
0xae: {  	[dreg:$0x2] =	wrdreg s24  }
0xaf: {  	[dreg:$0x3] =	wrdreg $0x9  }
0xb0: {  	_ =	task.clear_ibuf [dreg:s6], $0x4FFFF;
	_ =	strace $0x90000046  }
0xb1: {  	s29 =	simm.s32 $0x9;
	_ =	strace $0x80000048  }
0xb2: {  	_ =	swait.ge [sflag:s29], $0x1  }
0xb3: {  	[sflag:s29] =	ssyncadd.s32 $0xFFFFFFFF  }
0xb4: {  	_ =	strace $0x90000048  }
0xb5: {  	_ =	sfence  }
0xb6: {  	s30 =	sld [smem:$0x0];
	_ =	sdelay $0x2  }
0xb7: {  	s31 =	sshll.u32 s1, $0xD;
	s1 =	sshrl.u32 s1, $0x2  }
0xb8: {  	s3 =	sand.u32 $0x4000, s31;
	s1 =	sadd.s32 s1, s30  }
0xb9: {  	s0 =	sor.u32 s3, s0;
	s1 =	sshll.u32 s1, $0x11  }
0xba: {  	s0 =	sor.u32 s1, s0  }
0xbb: {  	s0 =	sadd.s32 $0x8F2B, s0  }
0xbc: {  	[sflag:s0] =	ssyncadd.remote.s32 $0x1  }
0xbd: {  	_ =	sfence.sel $0xFFFF  }
0xbe: {  	[dreg:$0x0] =	wrdreg $0xFFFFFFFF;
	(pc) =	sbr.abs _section_cstart, $3  }
0xbf: {  	[dreg:$0x1] =	wrdreg $0xFFFFFFFF  }
0xc0: {  	_ =	task.clear_ibuf [dreg:s6], $0x2FFFF;
	_ =	strace $0x9FFFFFFF  }
0xc1: {  	(tm) =	ssettm $0x7FFFFFFF  }
tec
execute0_lowered:
.L_overlay_start_1:
0x0: {  	(tag) =	ssettag $0x1  }
0x1: {  	s1 =	srdreg.scid;
	s0 =	stileid.u32  }
0x2: {  	s4 =	rddreg [dreg:$0x0];
	s2 =	simm.s32 $0x0;
	s8 =	simm.s32 $0x3  }
0x3: {  	s9 =	simm.s32 $0x6400;
	s10 =	simm.s32 $0x80;
	s11 =	simm.s32 $0xC800  }
0x4: {  	s12 =	simm.s32 $0xD800;
	s13 =	simm.s32 $0x100;
	s14 =	simm.s32 $0xE800  }
0x5: {  	s15 =	simm.s32 $0x180;
	s16 =	simm.s32 $0xF800;
	s17 =	simm.s32 $0x200  }
0x6: {  	s18 =	simm.s32 $0x10800;
	s19 =	simm.s32 $0x280;
	s20 =	simm.s32 $0x11800  }
0x7: {  	s21 =	simm.s32 $0x300;
	s22 =	simm.s32 $0x12800;
	s23 =	simm.s32 $0x380  }
0x8: {  	s24 =	simm.s32 $0x13800;
	s25 =	simm.s32 $0x1;
	s26 =	simm.s32 $0x2  }
0x9: {  	s28 =	simm.s32 $0x0;
	s3 =	sand.u32 $0x1, s1;
	s30 =	sshll.u32 s0, $0x1  }
.Ltmp0:
0xa: {  	s1 =	rddreg [dreg:$0x1];
	s5 =	sor.u32 s3, s30;
	(pc) =	sbr.rel .LBB2_1-.Ltmp0, $4  }
0xb: {  	[smem:$0x7FF] =	sst s2;
	s31 =	ssub.s32 $0x2, s3;
	s5 =	smul.u32 $0xC80, s5  }
0xc: {  	_ =	strace $0x80000047;
	s3 =	sadd.s32 $0xF5C400, s4;
	s7 =	sshrl.u32 s31, $0x1  }
0xd: {  	s7 =	ssub.s32 s31, s7;
	s6 =	sadd.s32 s5, s4;
	s4 =	sadd.s32 $0x33000, s4  }
0xe: {  	s7 =	smax.u32 s7, $0x1;
	s5 =	sadd.s32 $0x1A000, s6;
	s6 =	sadd.s32 $0x1000, s6  }
.LBB2_4:
0xf: {  	_ =	swait.ge [sflag:s26], $0x1000  }
0x10: {  	[sflag:s26] =	ssyncset.done $0x0  }
0x11: {  	[sflag:s26] =	ssyncadd.s32 $0xFFFFF000  }
0x12: {  	_ =	swait.ge [sflag:s26], $0x1000  }
0x13: {  	[sflag:s26] =	ssyncset.done $0x0  }
0x14: {  	[sflag:s26] =	ssyncadd.s32 $0xFFFFF000  }
0x15: {  	_ =	swait.ge [sflag:s26], $0x1000  }
0x16: {  	[sflag:s26] =	ssyncset.done $0x0  }
0x17: {  	[sflag:s26] =	ssyncadd.s32 $0xFFFFF000  }
0x18: {  	_ =	swait.ge [sflag:s26], $0x1000  }
0x19: {  	[sflag:s26] =	ssyncset.done $0x0  }
0x1a: {  	[sflag:s26] =	ssyncadd.s32 $0xFFFFF000  }
0x1b: {  	_ =	swait.ge [sflag:s26], $0x1000  }
0x1c: {  	[sflag:s26] =	ssyncset.done $0x0  }
0x1d: {  	s28 =	sadd.s32 $0x1, s28;
	[sflag:s26] =	ssyncadd.s32 $0xFFFFF000  }
0x1e: {  	p0 =	sne.s32 s28, s7;
	_ =	swait.ge [sflag:s26], $0x1000  }
.Ltmp1:
0x1f: {  	[sflag:s26] =	ssyncset.done $0x0;
	(pc) =	sbr.rel @!p0 .LBB2_5-.Ltmp1, $4  }
0x20: {  	[sflag:s26] =	ssyncadd.s32 $0xFFFFF000  }
0x21: {  	_ =	swait.ge [sflag:s26], $0x1000  }
0x22: {  	[sflag:s26] =	ssyncset.done $0x0  }
0x23: {  	[sflag:s26] =	ssyncadd.s32 $0xFFFFF000  }
.LBB2_1:
0x24: {  	[tilespmem:s2], [sflag:$0x3] =	stream.linear.gather [hbm4b:s5+s2], $0x6400, $0x38;
	[tilespmem:$0x14800] =	vst v63  }
0x25: {  	_ =	swait.ge [sflag:s8], $0x6400  }
0x26: {  	[sflag:s8] =	ssyncset.done $0x0  }
0x27: {  	[sflag:s8] =	ssyncadd.s32 $0xFFFF9C00  }
0x28: {  	[tilespmem:s9], [sflag:$0x3] =	stream.linear.gather [hbm4b:s6+s2], $0x6400, $0x38;
	[tilespmem:$0x14800] =	vst v63  }
0x29: {  	_ =	swait.ge [sflag:s8], $0x6400  }
0x2a: {  	[sflag:s8] =	ssyncset.done $0x0  }
0x2b: {  	[sflag:s8] =	ssyncadd.s32 $0xFFFF9C00  }
0x2c: {  	[tilespmem:s11], [sflag:$0x1] =	stream.indirect.gather [hbm4b:s3+s10], $0x20, s2, s10, $0xb8;
	[tilespmem:$0x14800] =	vst v63  }
0x2d: {  	_ = 	snop  }
0x2e: {  	[tilespmem:s12], [sflag:$0x1] =	stream.indirect.gather [hbm4b:s3+s10], $0x20, s10, s10, $0xb8;
	[tilespmem:$0x14800] =	vst v63  }
0x2f: {  	_ = 	snop  }
0x30: {  	[tilespmem:s14], [sflag:$0x1] =	stream.indirect.gather [hbm4b:s3+s10], $0x20, s13, s10, $0xb8;
	[tilespmem:$0x14800] =	vst v63  }
0x31: {  	_ = 	snop  }
0x32: {  	[tilespmem:s16], [sflag:$0x1] =	stream.indirect.gather [hbm4b:s3+s10], $0x20, s15, s10, $0xb8;
	[tilespmem:$0x14800] =	vst v63  }
0x33: {  	_ = 	snop  }
0x34: {  	[tilespmem:s18], [sflag:$0x1] =	stream.indirect.gather [hbm4b:s3+s10], $0x20, s17, s10, $0xb8;
	[tilespmem:$0x14800] =	vst v63  }
0x35: {  	_ = 	snop  }
0x36: {  	[tilespmem:s20], [sflag:$0x1] =	stream.indirect.gather [hbm4b:s3+s10], $0x20, s19, s10, $0xb8;
	[tilespmem:$0x14800] =	vst v63  }
0x37: {  	_ = 	snop  }
0x38: {  	[tilespmem:s22], [sflag:$0x1] =	stream.indirect.gather [hbm4b:s3+s10], $0x20, s21, s10, $0xb8;
	[tilespmem:$0x14800] =	vst v63  }
0x39: {  	s29 =	simm.s32 $0x0  }
0x3a: {  	[tilespmem:s24], [sflag:$0x1] =	stream.indirect.gather [hbm4b:s3+s10], $0x20, s23, s10, $0xb8;
	[tilespmem:$0x14800] =	vst v63  }
.LBB2_2:
0x3b: {  	_ =	swait.ge [sflag:s25], $0x1000  }
0x3c: {  	s30 =	sshra.s32 s29, $0x2;
	[sflag:s25] =	ssyncset.done $0x0  }
0x3d: {  	s31 =	sadd.s32 $0x6400, s30;
	[sflag:s25] =	ssyncadd.s32 $0xFFFFF000  }
0x3e: {  	[hbm4b:s4+s10] =	stream.indirect.scatter [tilespmem:s11], [sflag:$0x2], $0x20, s31, s10, $0xb8;
	[tilespmem:$0x14800] =	vst v63  }
0x3f: {  	_ =	swait.ge [sflag:s25], $0x1000  }
0x40: {  	[sflag:s25] =	ssyncset.done $0x0  }
0x41: {  	s31 =	sadd.s32 $0x6480, s30;
	[sflag:s25] =	ssyncadd.s32 $0xFFFFF000  }
0x42: {  	[hbm4b:s4+s10] =	stream.indirect.scatter [tilespmem:s12], [sflag:$0x2], $0x20, s31, s10, $0xb8;
	[tilespmem:$0x14800] =	vst v63  }
0x43: {  	_ =	swait.ge [sflag:s25], $0x1000  }
0x44: {  	[sflag:s25] =	ssyncset.done $0x0  }
0x45: {  	s31 =	sadd.s32 $0x6500, s30;
	[sflag:s25] =	ssyncadd.s32 $0xFFFFF000  }
0x46: {  	[hbm4b:s4+s10] =	stream.indirect.scatter [tilespmem:s14], [sflag:$0x2], $0x20, s31, s10, $0xb8;
	[tilespmem:$0x14800] =	vst v63  }
0x47: {  	_ =	swait.ge [sflag:s25], $0x1000  }
0x48: {  	[sflag:s25] =	ssyncset.done $0x0  }
0x49: {  	s31 =	sadd.s32 $0x6580, s30;
	[sflag:s25] =	ssyncadd.s32 $0xFFFFF000  }
0x4a: {  	[hbm4b:s4+s10] =	stream.indirect.scatter [tilespmem:s16], [sflag:$0x2], $0x20, s31, s10, $0xb8;
	[tilespmem:$0x14800] =	vst v63  }
0x4b: {  	_ =	swait.ge [sflag:s25], $0x1000  }
0x4c: {  	[sflag:s25] =	ssyncset.done $0x0  }
0x4d: {  	s31 =	sadd.s32 $0x6600, s30;
	[sflag:s25] =	ssyncadd.s32 $0xFFFFF000  }
0x4e: {  	[hbm4b:s4+s10] =	stream.indirect.scatter [tilespmem:s18], [sflag:$0x2], $0x20, s31, s10, $0xb8;
	[tilespmem:$0x14800] =	vst v63  }
0x4f: {  	_ =	swait.ge [sflag:s25], $0x1000  }
0x50: {  	[sflag:s25] =	ssyncset.done $0x0  }
0x51: {  	s31 =	sadd.s32 $0x6680, s30;
	[sflag:s25] =	ssyncadd.s32 $0xFFFFF000  }
0x52: {  	[hbm4b:s4+s10] =	stream.indirect.scatter [tilespmem:s20], [sflag:$0x2], $0x20, s31, s10, $0xb8;
	[tilespmem:$0x14800] =	vst v63  }
0x53: {  	_ =	swait.ge [sflag:s25], $0x1000  }
0x54: {  	[sflag:s25] =	ssyncset.done $0x0  }
0x55: {  	s31 =	sadd.s32 $0x6700, s30;
	[sflag:s25] =	ssyncadd.s32 $0xFFFFF000  }
0x56: {  	[hbm4b:s4+s10] =	stream.indirect.scatter [tilespmem:s22], [sflag:$0x2], $0x20, s31, s10, $0xb8;
	[tilespmem:$0x14800] =	vst v63  }
0x57: {  	_ =	swait.ge [sflag:s25], $0x1000  }
0x58: {  	p0 =	seq.s32 s29, $0x18000;
	[sflag:s25] =	ssyncset.done $0x0  }
.Ltmp2:
0x59: {  	s31 =	sadd.s32 $0x6780, s30;
	[sflag:s25] =	ssyncadd.s32 $0xFFFFF000;
	(pc) =	sbr.rel @p0 .LBB2_4-.Ltmp2, $4  }
0x5a: {  	[hbm4b:s4+s10] =	stream.indirect.scatter [tilespmem:s24], [sflag:$0x2], $0x20, s31, s10, $0xb8;
	[tilespmem:$0x14800] =	vst v63  }
0x5b: {  	_ =	swait.ge [sflag:s26], $0x1000  }
0x5c: {  	[sflag:s26] =	ssyncset.done $0x0  }
0x5d: {  	[sflag:s26] =	ssyncadd.s32 $0xFFFFF000  }
0x5e: {  	s31 =	sadd.s32 $0x400, s30  }
0x5f: {  	[tilespmem:s11], [sflag:$0x1] =	stream.indirect.gather [hbm4b:s3+s10], $0x20, s31, s10, $0xb8;
	[tilespmem:$0x14800] =	vst v63  }
0x60: {  	_ =	swait.ge [sflag:s26], $0x1000  }
0x61: {  	[sflag:s26] =	ssyncset.done $0x0  }
0x62: {  	s31 =	sadd.s32 $0x480, s30;
	[sflag:s26] =	ssyncadd.s32 $0xFFFFF000  }
0x63: {  	[tilespmem:s12], [sflag:$0x1] =	stream.indirect.gather [hbm4b:s3+s10], $0x20, s31, s10, $0xb8;
	[tilespmem:$0x14800] =	vst v63  }
0x64: {  	_ =	swait.ge [sflag:s26], $0x1000  }
0x65: {  	[sflag:s26] =	ssyncset.done $0x0  }
0x66: {  	s31 =	sadd.s32 $0x500, s30;
	[sflag:s26] =	ssyncadd.s32 $0xFFFFF000  }
0x67: {  	[tilespmem:s14], [sflag:$0x1] =	stream.indirect.gather [hbm4b:s3+s10], $0x20, s31, s10, $0xb8;
	[tilespmem:$0x14800] =	vst v63  }
0x68: {  	_ =	swait.ge [sflag:s26], $0x1000  }
0x69: {  	[sflag:s26] =	ssyncset.done $0x0  }
0x6a: {  	s31 =	sadd.s32 $0x580, s30;
	[sflag:s26] =	ssyncadd.s32 $0xFFFFF000  }
0x6b: {  	[tilespmem:s16], [sflag:$0x1] =	stream.indirect.gather [hbm4b:s3+s10], $0x20, s31, s10, $0xb8;
	[tilespmem:$0x14800] =	vst v63  }
0x6c: {  	_ =	swait.ge [sflag:s26], $0x1000  }
0x6d: {  	[sflag:s26] =	ssyncset.done $0x0  }
0x6e: {  	s31 =	sadd.s32 $0x600, s30;
	[sflag:s26] =	ssyncadd.s32 $0xFFFFF000  }
0x6f: {  	[tilespmem:s18], [sflag:$0x1] =	stream.indirect.gather [hbm4b:s3+s10], $0x20, s31, s10, $0xb8;
	[tilespmem:$0x14800] =	vst v63  }
0x70: {  	_ =	swait.ge [sflag:s26], $0x1000  }
0x71: {  	[sflag:s26] =	ssyncset.done $0x0  }
0x72: {  	s31 =	sadd.s32 $0x680, s30;
	[sflag:s26] =	ssyncadd.s32 $0xFFFFF000  }
0x73: {  	[tilespmem:s20], [sflag:$0x1] =	stream.indirect.gather [hbm4b:s3+s10], $0x20, s31, s10, $0xb8;
	[tilespmem:$0x14800] =	vst v63  }
0x74: {  	_ =	swait.ge [sflag:s26], $0x1000  }
0x75: {  	[sflag:s26] =	ssyncset.done $0x0  }
0x76: {  	s31 =	sadd.s32 $0x700, s30;
	[sflag:s26] =	ssyncadd.s32 $0xFFFFF000  }
0x77: {  	[tilespmem:s22], [sflag:$0x1] =	stream.indirect.gather [hbm4b:s3+s10], $0x20, s31, s10, $0xb8;
	[tilespmem:$0x14800] =	vst v63  }
.Ltmp3:
0x78: {  	_ = 	snop;
	(pc) =	sbr.rel .LBB2_2-.Ltmp3, $4  }
0x79: {  	_ =	swait.ge [sflag:s26], $0x1000  }
0x7a: {  	[sflag:s26] =	ssyncset.done $0x0  }
0x7b: {  	s29 =	sadd.s32 $0x1000, s29;
	s31 =	sadd.s32 $0x780, s30;
	[sflag:s26] =	ssyncadd.s32 $0xFFFFF000  }
0x7c: {  	[tilespmem:s24], [sflag:$0x1] =	stream.indirect.gather [hbm4b:s3+s10], $0x20, s31, s10, $0xb8;
	[tilespmem:$0x14800] =	vst v63  }
.LBB2_5:
0x7d: {  	_ =	sfence.sel $0x180000  }
0x7e: {  	[bflag:$0x0] =	sbarrier.arrive $0xFFFF  }
0x7f: {  	p0 =	sne.s32 s0, $0x0;
	_ =	strace $0x90000047  }
0x80: {  	s0 =	sadd.s32 @!p0 $0x100000, s1;
	[bflag:$0x2] =	sbarrier.arrive $0xFFFF  }
0x81: {  	[sflag:s0] =	ssyncadd.tile.s32 @!p0 $0x1;
	_ =	shalt  }
.Lfunc_end2:
_tile_overlayer_lowered:
.L_overlay_start_2:
0x82: {  	(tag) =	ssettag $0x2  }
0x83: {  	s0 =	rddreg [dreg:$0x0];
	s2 =	stileid.u32  }
0x84: {  	s1 =	rddreg [dreg:$0x1];
	p0 =	sne.s32 s2, $0x0  }
0x85: {  	s3 =	rddreg [dreg:$0x2];
	[bflag:$0x3] =	sbarrier.arrive $0xFFFF;
	s2 =	simm.s32 @!p0 $0x1C03  }
0x86: {  	[timem:s3], [sflag:s2] =	dma.local @!p0 [hbm:s0], s1  }
0x87: {  	s0 =	simm.s32 @!p0 $0x3  }
0x88: {  	_ =	swait.ge @!p0 [sflag:s0], s1  }
0x89: {  	s1 =	ssub.s32 @!p0 $0x0, s1;
	[sflag:s0] =	ssyncset.done @!p0 $0x0  }
0x8a: {  	[sflag:s0] =	ssyncadd.s32 @!p0 s1  }
0x8b: {  	[bflag:$0x3] =	sbarrier.arrive $0xFFFF  }
0x8c: {  	_ =	shalt  }

</sc_bundles>
